<compile_context>
chip_gen: v7x
topology: tpu7x:2x2x1
jax: 0.10.2.dev20260603
libtpu: 0.0.44.dev20260713+nightly
codegen_flags: <defaults>
</compile_context>

<pallas_src>
import functools

import jax
import jax.numpy as jnp
from jax import lax
from jax.experimental import pallas as pl
from jax.experimental.pallas import tpu as pltpu
from jax.experimental.pallas import tpu_sc as plsc

_BETA = 0.25
_G = 8


def _argmax_kernel(rn_ref, en_ref, rprev_ref, qprev_ref, idx_ref, qp_ref, *,
                   vocab, vt, first):
    tn = rn_ref.shape[0]
    nv = vt // _G

    @pl.when(pl.program_id(0) == 0)
    def _init():
        qp_ref[...] = jnp.zeros_like(qp_ref)

    if not first:
        q = qprev_ref[:, :rprev_ref.shape[1]]
        rp = rprev_ref[...]
        diff = q - rp
        part = jnp.sum(diff * diff)
        mask = ((lax.broadcasted_iota(jnp.int32, (8, 128), 0) == 0)
                & (lax.broadcasted_iota(jnp.int32, (8, 128), 1) == 0))
        qp_ref[...] = qp_ref[...] + jnp.where(mask, part, 0.0)

    rnb = rn_ref[...].astype(jnp.bfloat16)

    def tile_body(t, carry):
        M, fb, la, ha = carry
        en_t = en_ref[pl.ds(t * vt, vt), :].astype(jnp.bfloat16)
        s = lax.dot_general(rnb, en_t, (((1,), (1,)), ((), ())),
                            preferred_element_type=jnp.float32)
        b = s.astype(jnp.bfloat16).astype(jnp.float32)
        tm = jnp.max(b, axis=1, keepdims=True)
        iota = lax.broadcasted_iota(jnp.int32, (tn, vt), 1)
        bucket = b == tm
        abv = bucket & (s > tm)
        t_fb = jnp.min(jnp.where(bucket, iota, vt), axis=1, keepdims=True) + t * vt
        t_lar = jnp.max(jnp.where(abv, iota, -1), axis=1, keepdims=True)
        t_ha = (t_lar >= 0).astype(jnp.int32)
        t_la = t_lar + t * vt
        newmax = tm > M
        same = tm == M
        M2 = jnp.where(newmax, tm, M)
        fb2 = jnp.where(newmax, t_fb, fb)
        la2 = jnp.where(newmax | (same & (t_ha > 0)), t_la, la)
        ha2 = jnp.where(newmax, t_ha, jnp.maximum(ha, same.astype(jnp.int32) * t_ha))
        return M2, fb2, la2, ha2

    init = (jnp.full((tn, 1), -jnp.inf, dtype=jnp.float32),
            jnp.zeros((tn, 1), dtype=jnp.int32),
            jnp.zeros((tn, 1), dtype=jnp.int32),
            jnp.zeros((tn, 1), dtype=jnp.int32))
    M, fb, la, ha = lax.fori_loop(0, vocab // vt, tile_body, init)
    win = jnp.where(ha > 0, la, fb)
    idx_ref[...] = jnp.broadcast_to(win[:, 0][None, :], idx_ref.shape)


def _epilogue_kernel(z_ref, r_ref, q_ref, zq_ref, qp_ref):
    @pl.when(pl.program_id(0) == 0)
    def _init():
        qp_ref[...] = jnp.zeros_like(qp_ref)

    z = z_ref[...]
    r = r_ref[...]
    q = q_ref[:, :z_ref.shape[1]]
    zq_ref[...] = z - (r - q)
    diff = q - r
    part = jnp.sum(diff * diff)
    mask = ((lax.broadcasted_iota(jnp.int32, (8, 128), 0) == 0)
            & (lax.broadcasted_iota(jnp.int32, (8, 128), 1) == 0))
    qp_ref[...] = qp_ref[...] + jnp.where(mask, part, 0.0)


def _tc_argmax(rn, en, r_prev, q_prev, *, first, tn=512, vt=512):
    n, c = rn.shape
    v = en.shape[0]
    kern = functools.partial(_argmax_kernel, vocab=v, vt=vt, first=first)
    idx, qp = pl.pallas_call(
        kern,
        grid=(n // tn,),
        in_specs=[
            pl.BlockSpec((tn, c), lambda i: (i, 0)),
            pl.BlockSpec((v, c), lambda i: (0, 0)),
            pl.BlockSpec((tn, c), lambda i: (i, 0)),
            pl.BlockSpec((tn, 128), lambda i: (i, 0)),
        ],
        out_specs=[
            pl.BlockSpec((8, tn), lambda i: (0, i)),
            pl.BlockSpec((8, 128), lambda i: (0, 0)),
        ],
        out_shape=[
            jax.ShapeDtypeStruct((8, n), jnp.int32),
            jax.ShapeDtypeStruct((8, 128), jnp.float32),
        ],
    )(rn, en, r_prev, q_prev)
    return idx[0], jnp.sum(qp)


def _make_sc_gather(v, n):
    rw = 128
    info = plsc.get_sparse_core_info()
    nw = info.num_cores * info.num_subcores
    b_per_w = n // nw
    n_chunks = b_per_w // 128
    mesh = plsc.VectorSubcoreMesh(core_axis_name="c", subcore_axis_name="s")

    @functools.partial(
        pl.kernel, mesh=mesh,
        out_type=jax.ShapeDtypeStruct((n, rw), jnp.float32),
        scratch_types=[
            pltpu.VMEM((b_per_w,), jnp.int32),
            pltpu.VMEM((b_per_w, rw), jnp.float32),
            pltpu.SemaphoreType.DMA,
        ],
    )
    def gather(table_hbm, idx_hbm, out_hbm, idx_v, rows_v, sem):
        wid = lax.axis_index("s") * info.num_cores + lax.axis_index("c")
        base = wid * b_per_w
        pltpu.sync_copy(idx_hbm.at[pl.ds(base, b_per_w)], idx_v)
        copies = []
        for j in range(n_chunks):
            sl = pl.ds(j * 128, 128)
            copies.append(pltpu.async_copy(
                table_hbm.at[idx_v.at[sl]], rows_v.at[sl, :], sem))
        for cp in copies:
            cp.wait()
        pltpu.sync_copy(rows_v, out_hbm.at[pl.ds(base, b_per_w)])

    return gather


def _to_tok(x_nchw):
    B, C, H, W = x_nchw.shape
    return jnp.transpose(x_nchw, (0, 2, 3, 1)).reshape(B * H * W, C)


@jax.jit
def kernel(z, codebooks):
    B, C, H, W = z.shape
    L, V, _ = codebooks.shape
    N = B * H * W

    sc_gather = _make_sc_gather(V, N)
    cb_pad = jnp.pad(codebooks, ((0, 0), (0, 0), (0, 128 - C)))

    r_nchw = z
    r_prev_tok = None
    q = jnp.zeros((N, 128), jnp.float32)
    qp_total = jnp.zeros((), jnp.float32)
    idx_levels = []
    for l in range(L):
        nrm = jnp.clip(jnp.linalg.norm(r_nchw, axis=1, keepdims=True), 1e-12)
        rn = _to_tok(r_nchw / nrm)
        emb = codebooks[l]
        en = emb / jnp.clip(jnp.linalg.norm(emb, axis=1, keepdims=True), 1e-12)
        r_tok = _to_tok(r_nchw)
        idx, qp = _tc_argmax(rn, en,
                             r_prev_tok if l else r_tok, q, first=(l == 0))
        qp_total = qp_total + qp
        idx_levels.append(idx)
        q = sc_gather(cb_pad[l], idx)
        q_nchw = jnp.transpose(q[:, :C].reshape(B, H, W, C), (0, 3, 1, 2))
        r_prev_tok = r_tok
        r_nchw = r_nchw - q_nchw

    zq_tok, qp_last = pl.pallas_call(
        _epilogue_kernel,
        grid=(N // 512,),
        in_specs=[
            pl.BlockSpec((512, C), lambda i: (i, 0)),
            pl.BlockSpec((512, C), lambda i: (i, 0)),
            pl.BlockSpec((512, 128), lambda i: (i, 0)),
        ],
        out_specs=[
            pl.BlockSpec((512, C), lambda i: (i, 0)),
            pl.BlockSpec((8, 128), lambda i: (0, 0)),
        ],
        out_shape=[
            jax.ShapeDtypeStruct((N, C), jnp.float32),
            jax.ShapeDtypeStruct((8, 128), jnp.float32),
        ],
    )(_to_tok(z), r_prev_tok, q)
    qp_total = qp_total + jnp.sum(qp_last)

    z_q = jnp.transpose(zq_tok.reshape(B, H, W, C), (0, 3, 1, 2))
    all_idx = jnp.stack(idx_levels, axis=0).reshape(L, B, H, W)
    qloss = _BETA * qp_total / (N * C)
    return z_q, all_idx, qloss

# --- scband reference (transcript-rebuilt; emitter-appended) ---
"""Pipeline reference for scband-autoencoder-rvq-35768487641779 (READ-ONLY COPY).

The authoritative reference and input builder live on the scoring server;
editing this copy changes nothing except your own understanding.
"""

import jax, jax.numpy as jnp
import numpy as np


def setup_inputs(seed: int = 0) -> dict:
    key = jax.random.key(seed)
    k1, k2 = jax.random.split(key)
    # z: latent after quant_conv, (B, C=embed_dim, H, W)
    z = jax.random.normal(k1, (16, 32, 32, 32), dtype=jnp.float32)
    # L=num_levels EMA codebooks, each (vocab_size, embed_dim), row-normalized as in __init__
    cb = jax.random.normal(k2, (4, 8192, 32), dtype=jnp.float32)
    cb = cb / jnp.clip(jnp.linalg.norm(cb, axis=-1, keepdims=True), 1e-12)
    return {"z": z, "codebooks": cb}


def reference(z, codebooks):
    # Residual / hierarchical VQ (VAR-style):
    #   r_0 = z; q_l = CB_l(r_{l-1}); r_l = r_{l-1} - stop_grad(q_l)
    #   z_q = z + stop_grad(sum_l q_l - z); qloss = sum_l beta * mse(stop_grad(q_l), r_{l-1})
    B, C, H, W = z.shape
    L = codebooks.shape[0]
    beta = 0.25
    residual = z
    q_sum = jnp.zeros_like(z)
    qloss = jnp.zeros((), dtype=z.dtype)
    idx_list = []
    for l in range(L):
        emb = codebooks[l]
        r_flat = jnp.transpose(residual, (0, 2, 3, 1)).reshape(-1, C)
        # get_idx with use_znorm=True: cosine similarity argmax (normalize both sides)
        rn = r_flat / jnp.clip(jnp.linalg.norm(r_flat, axis=1, keepdims=True), 1e-12)
        en = emb / jnp.clip(jnp.linalg.norm(emb, axis=1, keepdims=True), 1e-12)
        idx = jnp.argmax(rn @ en.T, axis=1)
        z_q_flat = jnp.take(emb, idx, axis=0)  # codebook gather -> SparseCore
        z_q = jnp.transpose(z_q_flat.reshape(B, H, W, C), (0, 3, 1, 2))
        q_sum = q_sum + z_q
        qloss = qloss + beta * jnp.mean((jax.lax.stop_gradient(z_q) - residual) ** 2)
        residual = residual - jax.lax.stop_gradient(z_q)
        idx_list.append(idx.reshape(B, H, W))
    z_q_st = z + jax.lax.stop_gradient(q_sum - z)
    all_idx = jnp.stack(idx_list, axis=0)  # (L, B, H, W)
    return z_q_st, all_idx, qloss

if __name__ == "__main__":
    import jax
    _d = setup_inputs()
    print(jax.jit(kernel)(*tuple(_d.values())))

</pallas_src>

<mosaic_0001>
#map = affine_map<(d0, d1) -> (0, 0)>
#map1 = affine_map<(d0, d1) -> (0)>
module attributes {stable_mosaic.version = 14 : i64} {
  func.func @gather(%arg0: i32, %arg1: i32, %arg2: memref<8192x128xf32, #tpu.memory_space<hbm>>, %arg3: memref<16384xi32, #tpu.memory_space<hbm>>, %arg4: memref<16384x128xf32, #tpu.memory_space<hbm>>, %arg5: memref<512xi32, #tpu.memory_space<vmem>>, %arg6: memref<512x128xf32, #tpu.memory_space<vmem>>, %arg7: memref<!tpu.dma_semaphore, #tpu.memory_space<semaphore_mem>>) attributes {dimension_semantics = [#tpu.dimension_semantics<core_parallel>, #tpu.dimension_semantics<subcore_parallel>], iteration_bounds = array<i64: 2, 16>, scalar_prefetch = 0 : i64, scratch_operands = 3 : i64, tpu.core_type = #tpu.core_type<sc_vector_subcore>, window_params = [{transform_indices = #map}, {transform_indices = #map1}, {transform_indices = #map}]} {
    %mul3A = arith.constant 2 : i32
    %mul3A_0 = arith.muli %arg1, %mul3A : i32
    %add3A = arith.addi %mul3A_0, %arg0 : i32
    %mul3A_1 = arith.constant 512 : i32
    %mul3A_2 = arith.muli %add3A, %mul3A_1 : i32
    "tpu.region"() ({
      %run_scoped3A = tpu.sem_alloc : memref<!tpu.dma_semaphore, #tpu.memory_space<semaphore_mem>>
      %dma_start3A_65 = tpu.memref_slice %arg3[%mul3A_2] : memref<16384xi32, #tpu.memory_space<hbm>> -> memref<512xi32, #tpu.memory_space<hbm>>
      %dma_start3A_66 = tpu.memref_slice %arg3[%mul3A_2] : memref<16384xi32, #tpu.memory_space<hbm>> -> memref<512xi32, #tpu.memory_space<hbm>>
      tpu.enqueue_dma source(%dma_start3A_66 : memref<512xi32, #tpu.memory_space<hbm>>) target(%arg5 : memref<512xi32, #tpu.memory_space<vmem>>) target_semaphore(%run_scoped3A : memref<!tpu.dma_semaphore, #tpu.memory_space<semaphore_mem>>)
      %dma_wait3A_67 = tpu.memref_slice %arg3[%mul3A_2] : memref<16384xi32, #tpu.memory_space<hbm>> -> memref<512xi32, #tpu.memory_space<hbm>>
      %dma_wait3A_68 = tpu.memref_slice %arg3[%mul3A_2] : memref<16384xi32, #tpu.memory_space<hbm>> -> memref<512xi32, #tpu.memory_space<hbm>>
      tpu.wait_dma2 semaphore(%run_scoped3A : memref<!tpu.dma_semaphore, #tpu.memory_space<semaphore_mem>>) src(%dma_wait3A_68 : memref<512xi32, #tpu.memory_space<hbm>>) dst(%arg5 : memref<512xi32, #tpu.memory_space<vmem>>)
      tpu.yield
    }) : () -> ()
    %dma_start3A = arith.constant 0 : i32
    %dma_start3A_3 = arith.constant 0 : i32
    %dma_start3A_4 = tpu.memref_slice %arg6[%dma_start3A, %dma_start3A_3] : memref<512x128xf32, #tpu.memory_space<vmem>> -> memref<128x128xf32, #tpu.memory_space<vmem>>
    %dma_start3A_5 = arith.constant 0 : i32
    %dma_start3A_6 = tpu.memref_slice %arg5[%dma_start3A_5] : memref<512xi32, #tpu.memory_space<vmem>> -> memref<128xi32, #tpu.memory_space<vmem>>
    %dma_start3A_7 = arith.constant 0 : i32
    %dma_start3A_8 = arith.constant 0 : i32
    %dma_start3A_9 = tpu.memref_slice %arg2[%dma_start3A_7, %dma_start3A_8] : memref<8192x128xf32, #tpu.memory_space<hbm>> -> memref<8192x128xf32, #tpu.memory_space<hbm>>
    tpu.enqueue_indirect_dma source(%dma_start3A_9 : memref<8192x128xf32, #tpu.memory_space<hbm>>) target(%dma_start3A_4 : memref<128x128xf32, #tpu.memory_space<vmem>>) offsets(%dma_start3A_6 : memref<128xi32, #tpu.memory_space<vmem>>) semaphore(%arg7 : memref<!tpu.dma_semaphore, #tpu.memory_space<semaphore_mem>>)
    %dma_start3A_10 = arith.constant 128 : i32
    %dma_start3A_11 = arith.constant 0 : i32
    %dma_start3A_12 = tpu.memref_slice %arg6[%dma_start3A_10, %dma_start3A_11] : memref<512x128xf32, #tpu.memory_space<vmem>> -> memref<128x128xf32, #tpu.memory_space<vmem>>
    %dma_start3A_13 = arith.constant 128 : i32
    %dma_start3A_14 = tpu.memref_slice %arg5[%dma_start3A_13] : memref<512xi32, #tpu.memory_space<vmem>> -> memref<128xi32, #tpu.memory_space<vmem>>
    %dma_start3A_15 = arith.constant 0 : i32
    %dma_start3A_16 = arith.constant 0 : i32
    %dma_start3A_17 = tpu.memref_slice %arg2[%dma_start3A_15, %dma_start3A_16] : memref<8192x128xf32, #tpu.memory_space<hbm>> -> memref<8192x128xf32, #tpu.memory_space<hbm>>
    tpu.enqueue_indirect_dma source(%dma_start3A_17 : memref<8192x128xf32, #tpu.memory_space<hbm>>) target(%dma_start3A_12 : memref<128x128xf32, #tpu.memory_space<vmem>>) offsets(%dma_start3A_14 : memref<128xi32, #tpu.memory_space<vmem>>) semaphore(%arg7 : memref<!tpu.dma_semaphore, #tpu.memory_space<semaphore_mem>>)
    %dma_start3A_18 = arith.constant 256 : i32
    %dma_start3A_19 = arith.constant 0 : i32
    %dma_start3A_20 = tpu.memref_slice %arg6[%dma_start3A_18, %dma_start3A_19] : memref<512x128xf32, #tpu.memory_space<vmem>> -> memref<128x128xf32, #tpu.memory_space<vmem>>
    %dma_start3A_21 = arith.constant 256 : i32
    %dma_start3A_22 = tpu.memref_slice %arg5[%dma_start3A_21] : memref<512xi32, #tpu.memory_space<vmem>> -> memref<128xi32, #tpu.memory_space<vmem>>
    %dma_start3A_23 = arith.constant 0 : i32
    %dma_start3A_24 = arith.constant 0 : i32
    %dma_start3A_25 = tpu.memref_slice %arg2[%dma_start3A_23, %dma_start3A_24] : memref<8192x128xf32, #tpu.memory_space<hbm>> -> memref<8192x128xf32, #tpu.memory_space<hbm>>
    tpu.enqueue_indirect_dma source(%dma_start3A_25 : memref<8192x128xf32, #tpu.memory_space<hbm>>) target(%dma_start3A_20 : memref<128x128xf32, #tpu.memory_space<vmem>>) offsets(%dma_start3A_22 : memref<128xi32, #tpu.memory_space<vmem>>) semaphore(%arg7 : memref<!tpu.dma_semaphore, #tpu.memory_space<semaphore_mem>>)
    %dma_start3A_26 = arith.constant 384 : i32
    %dma_start3A_27 = arith.constant 0 : i32
    %dma_start3A_28 = tpu.memref_slice %arg6[%dma_start3A_26, %dma_start3A_27] : memref<512x128xf32, #tpu.memory_space<vmem>> -> memref<128x128xf32, #tpu.memory_space<vmem>>
    %dma_start3A_29 = arith.constant 384 : i32
    %dma_start3A_30 = tpu.memref_slice %arg5[%dma_start3A_29] : memref<512xi32, #tpu.memory_space<vmem>> -> memref<128xi32, #tpu.memory_space<vmem>>
    %dma_start3A_31 = arith.constant 0 : i32
    %dma_start3A_32 = arith.constant 0 : i32
    %dma_start3A_33 = tpu.memref_slice %arg2[%dma_start3A_31, %dma_start3A_32] : memref<8192x128xf32, #tpu.memory_space<hbm>> -> memref<8192x128xf32, #tpu.memory_space<hbm>>
    tpu.enqueue_indirect_dma source(%dma_start3A_33 : memref<8192x128xf32, #tpu.memory_space<hbm>>) target(%dma_start3A_28 : memref<128x128xf32, #tpu.memory_space<vmem>>) offsets(%dma_start3A_30 : memref<128xi32, #tpu.memory_space<vmem>>) semaphore(%arg7 : memref<!tpu.dma_semaphore, #tpu.memory_space<semaphore_mem>>)
    %dma_wait3A = arith.constant 0 : i32
    %dma_wait3A_34 = arith.constant 0 : i32
    %dma_wait3A_35 = tpu.memref_slice %arg6[%dma_wait3A, %dma_wait3A_34] : memref<512x128xf32, #tpu.memory_space<vmem>> -> memref<128x128xf32, #tpu.memory_space<vmem>>
    %dma_wait3A_36 = arith.constant 0 : i32
    %dma_wait3A_37 = tpu.memref_slice %arg5[%dma_wait3A_36] : memref<512xi32, #tpu.memory_space<vmem>> -> memref<128xi32, #tpu.memory_space<vmem>>
    %dma_wait3A_38 = arith.constant 0 : i32
    %dma_wait3A_39 = arith.constant 0 : i32
    %dma_wait3A_40 = tpu.memref_slice %arg2[%dma_wait3A_38, %dma_wait3A_39] : memref<8192x128xf32, #tpu.memory_space<hbm>> -> memref<8192x128xf32, #tpu.memory_space<hbm>>
    tpu.wait_indirect_dma semaphore(%arg7 : memref<!tpu.dma_semaphore, #tpu.memory_space<semaphore_mem>>) src(%dma_wait3A_40 : memref<8192x128xf32, #tpu.memory_space<hbm>>) dst(%dma_wait3A_35 : memref<128x128xf32, #tpu.memory_space<vmem>>)
    %dma_wait3A_41 = arith.constant 128 : i32
    %dma_wait3A_42 = arith.constant 0 : i32
    %dma_wait3A_43 = tpu.memref_slice %arg6[%dma_wait3A_41, %dma_wait3A_42] : memref<512x128xf32, #tpu.memory_space<vmem>> -> memref<128x128xf32, #tpu.memory_space<vmem>>
    %dma_wait3A_44 = arith.constant 128 : i32
    %dma_wait3A_45 = tpu.memref_slice %arg5[%dma_wait3A_44] : memref<512xi32, #tpu.memory_space<vmem>> -> memref<128xi32, #tpu.memory_space<vmem>>
    %dma_wait3A_46 = arith.constant 0 : i32
    %dma_wait3A_47 = arith.constant 0 : i32
    %dma_wait3A_48 = tpu.memref_slice %arg2[%dma_wait3A_46, %dma_wait3A_47] : memref<8192x128xf32, #tpu.memory_space<hbm>> -> memref<8192x128xf32, #tpu.memory_space<hbm>>
    tpu.wait_indirect_dma semaphore(%arg7 : memref<!tpu.dma_semaphore, #tpu.memory_space<semaphore_mem>>) src(%dma_wait3A_48 : memref<8192x128xf32, #tpu.memory_space<hbm>>) dst(%dma_wait3A_43 : memref<128x128xf32, #tpu.memory_space<vmem>>)
    %dma_wait3A_49 = arith.constant 256 : i32
    %dma_wait3A_50 = arith.constant 0 : i32
    %dma_wait3A_51 = tpu.memref_slice %arg6[%dma_wait3A_49, %dma_wait3A_50] : memref<512x128xf32, #tpu.memory_space<vmem>> -> memref<128x128xf32, #tpu.memory_space<vmem>>
    %dma_wait3A_52 = arith.constant 256 : i32
    %dma_wait3A_53 = tpu.memref_slice %arg5[%dma_wait3A_52] : memref<512xi32, #tpu.memory_space<vmem>> -> memref<128xi32, #tpu.memory_space<vmem>>
    %dma_wait3A_54 = arith.constant 0 : i32
    %dma_wait3A_55 = arith.constant 0 : i32
    %dma_wait3A_56 = tpu.memref_slice %arg2[%dma_wait3A_54, %dma_wait3A_55] : memref<8192x128xf32, #tpu.memory_space<hbm>> -> memref<8192x128xf32, #tpu.memory_space<hbm>>
    tpu.wait_indirect_dma semaphore(%arg7 : memref<!tpu.dma_semaphore, #tpu.memory_space<semaphore_mem>>) src(%dma_wait3A_56 : memref<8192x128xf32, #tpu.memory_space<hbm>>) dst(%dma_wait3A_51 : memref<128x128xf32, #tpu.memory_space<vmem>>)
    %dma_wait3A_57 = arith.constant 384 : i32
    %dma_wait3A_58 = arith.constant 0 : i32
    %dma_wait3A_59 = tpu.memref_slice %arg6[%dma_wait3A_57, %dma_wait3A_58] : memref<512x128xf32, #tpu.memory_space<vmem>> -> memref<128x128xf32, #tpu.memory_space<vmem>>
    %dma_wait3A_60 = arith.constant 384 : i32
    %dma_wait3A_61 = tpu.memref_slice %arg5[%dma_wait3A_60] : memref<512xi32, #tpu.memory_space<vmem>> -> memref<128xi32, #tpu.memory_space<vmem>>
    %dma_wait3A_62 = arith.constant 0 : i32
    %dma_wait3A_63 = arith.constant 0 : i32
    %dma_wait3A_64 = tpu.memref_slice %arg2[%dma_wait3A_62, %dma_wait3A_63] : memref<8192x128xf32, #tpu.memory_space<hbm>> -> memref<8192x128xf32, #tpu.memory_space<hbm>>
    tpu.wait_indirect_dma semaphore(%arg7 : memref<!tpu.dma_semaphore, #tpu.memory_space<semaphore_mem>>) src(%dma_wait3A_64 : memref<8192x128xf32, #tpu.memory_space<hbm>>) dst(%dma_wait3A_59 : memref<128x128xf32, #tpu.memory_space<vmem>>)
    "tpu.region"() ({
      %run_scoped3A = tpu.sem_alloc : memref<!tpu.dma_semaphore, #tpu.memory_space<semaphore_mem>>
      %dma_start3A_65 = arith.constant 0 : i32
      %dma_start3A_66 = tpu.memref_slice %arg4[%mul3A_2, %dma_start3A_65] : memref<16384x128xf32, #tpu.memory_space<hbm>> -> memref<512x128xf32, #tpu.memory_space<hbm>>
      %dma_start3A_67 = arith.constant 0 : i32
      %dma_start3A_68 = tpu.memref_slice %arg4[%mul3A_2, %dma_start3A_67] : memref<16384x128xf32, #tpu.memory_space<hbm>> -> memref<512x128xf32, #tpu.memory_space<hbm>>
      tpu.enqueue_dma source(%arg6 : memref<512x128xf32, #tpu.memory_space<vmem>>) target(%dma_start3A_68 : memref<512x128xf32, #tpu.memory_space<hbm>>) target_semaphore(%run_scoped3A : memref<!tpu.dma_semaphore, #tpu.memory_space<semaphore_mem>>)
      %dma_wait3A_69 = arith.constant 0 : i32
      %dma_wait3A_70 = tpu.memref_slice %arg4[%mul3A_2, %dma_wait3A_69] : memref<16384x128xf32, #tpu.memory_space<hbm>> -> memref<512x128xf32, #tpu.memory_space<hbm>>
      %dma_wait3A_71 = arith.constant 0 : i32
      %dma_wait3A_72 = tpu.memref_slice %arg4[%mul3A_2, %dma_wait3A_71] : memref<16384x128xf32, #tpu.memory_space<hbm>> -> memref<512x128xf32, #tpu.memory_space<hbm>>
      tpu.wait_dma2 semaphore(%run_scoped3A : memref<!tpu.dma_semaphore, #tpu.memory_space<semaphore_mem>>) src(%arg6 : memref<512x128xf32, #tpu.memory_space<vmem>>) dst(%dma_wait3A_72 : memref<512x128xf32, #tpu.memory_space<hbm>>)
      tpu.yield
    }) : () -> ()
    return
  }
}

#map = affine_map<(d0, d1) -> (0, 0)>
#map1 = affine_map<(d0, d1) -> (0)>
module attributes {stable_mosaic.version = 14 : i64} {
  func.func @gather(%arg0: i32, %arg1: i32, %arg2: memref<8192x128xf32, #tpu.memory_space<hbm>>, %arg3: memref<16384xi32, #tpu.memory_space<hbm>>, %arg4: memref<16384x128xf32, #tpu.memory_space<hbm>>, %arg5: memref<512xi32, #tpu.memory_space<vmem>>, %arg6: memref<512x128xf32, #tpu.memory_space<vmem>>, %arg7: memref<!tpu.dma_semaphore, #tpu.memory_space<semaphore_mem>>) attributes {dimension_semantics = [#tpu.dimension_semantics<core_parallel>, #tpu.dimension_semantics<subcore_parallel>], iteration_bounds = array<i64: 2, 16>, scalar_prefetch = 0 : i64, scratch_operands = 3 : i64, tpu.core_type = #tpu.core_type<sc_vector_subcore>, window_params = [{transform_indices = #map}, {transform_indices = #map1}, {transform_indices = #map}]} {
    %mul3A = arith.constant 2 : i32
    %mul3A_0 = arith.muli %arg1, %mul3A : i32
    %add3A = arith.addi %mul3A_0, %arg0 : i32
    %mul3A_1 = arith.constant 512 : i32
    %mul3A_2 = arith.muli %add3A, %mul3A_1 : i32
    "tpu.region"() ({
      %run_scoped3A = tpu.sem_alloc : memref<!tpu.dma_semaphore, #tpu.memory_space<semaphore_mem>>
      %dma_start3A_65 = tpu.memref_slice %arg3[%mul3A_2] : memref<16384xi32, #tpu.memory_space<hbm>> -> memref<512xi32, #tpu.memory_space<hbm>>
      %dma_start3A_66 = tpu.memref_slice %arg3[%mul3A_2] : memref<16384xi32, #tpu.memory_space<hbm>> -> memref<512xi32, #tpu.memory_space<hbm>>
      tpu.enqueue_dma source(%dma_start3A_66 : memref<512xi32, #tpu.memory_space<hbm>>) target(%arg5 : memref<512xi32, #tpu.memory_space<vmem>>) target_semaphore(%run_scoped3A : memref<!tpu.dma_semaphore, #tpu.memory_space<semaphore_mem>>)
      %dma_wait3A_67 = tpu.memref_slice %arg3[%mul3A_2] : memref<16384xi32, #tpu.memory_space<hbm>> -> memref<512xi32, #tpu.memory_space<hbm>>
      %dma_wait3A_68 = tpu.memref_slice %arg3[%mul3A_2] : memref<16384xi32, #tpu.memory_space<hbm>> -> memref<512xi32, #tpu.memory_space<hbm>>
      tpu.wait_dma2 semaphore(%run_scoped3A : memref<!tpu.dma_semaphore, #tpu.memory_space<semaphore_mem>>) src(%dma_wait3A_68 : memref<512xi32, #tpu.memory_space<hbm>>) dst(%arg5 : memref<512xi32, #tpu.memory_space<vmem>>)
      tpu.yield
    }) : () -> ()
    %dma_start3A = arith.constant 0 : i32
    %dma_start3A_3 = arith.constant 0 : i32
    %dma_start3A_4 = tpu.memref_slice %arg6[%dma_start3A, %dma_start3A_3] : memref<512x128xf32, #tpu.memory_space<vmem>> -> memref<128x128xf32, #tpu.memory_space<vmem>>
    %dma_start3A_5 = arith.constant 0 : i32
    %dma_start3A_6 = tpu.memref_slice %arg5[%dma_start3A_5] : memref<512xi32, #tpu.memory_space<vmem>> -> memref<128xi32, #tpu.memory_space<vmem>>
    %dma_start3A_7 = arith.constant 0 : i32
    %dma_start3A_8 = arith.constant 0 : i32
    %dma_start3A_9 = tpu.memref_slice %arg2[%dma_start3A_7, %dma_start3A_8] : memref<8192x128xf32, #tpu.memory_space<hbm>> -> memref<8192x128xf32, #tpu.memory_space<hbm>>
    tpu.enqueue_indirect_dma source(%dma_start3A_9 : memref<8192x128xf32, #tpu.memory_space<hbm>>) target(%dma_start3A_4 : memref<128x128xf32, #tpu.memory_space<vmem>>) offsets(%dma_start3A_6 : memref<128xi32, #tpu.memory_space<vmem>>) semaphore(%arg7 : memref<!tpu.dma_semaphore, #tpu.memory_space<semaphore_mem>>)
    %dma_start3A_10 = arith.constant 128 : i32
    %dma_start3A_11 = arith.constant 0 : i32
    %dma_start3A_12 = tpu.memref_slice %arg6[%dma_start3A_10, %dma_start3A_11] : memref<512x128xf32, #tpu.memory_space<vmem>> -> memref<128x128xf32, #tpu.memory_space<vmem>>
    %dma_start3A_13 = arith.constant 128 : i32
    %dma_start3A_14 = tpu.memref_slice %arg5[%dma_start3A_13] : memref<512xi32, #tpu.memory_space<vmem>> -> memref<128xi32, #tpu.memory_space<vmem>>
    %dma_start3A_15 = arith.constant 0 : i32
    %dma_start3A_16 = arith.constant 0 : i32
    %dma_start3A_17 = tpu.memref_slice %arg2[%dma_start3A_15, %dma_start3A_16] : memref<8192x128xf32, #tpu.memory_space<hbm>> -> memref<8192x128xf32, #tpu.memory_space<hbm>>
    tpu.enqueue_indirect_dma source(%dma_start3A_17 : memref<8192x128xf32, #tpu.memory_space<hbm>>) target(%dma_start3A_12 : memref<128x128xf32, #tpu.memory_space<vmem>>) offsets(%dma_start3A_14 : memref<128xi32, #tpu.memory_space<vmem>>) semaphore(%arg7 : memref<!tpu.dma_semaphore, #tpu.memory_space<semaphore_mem>>)
    %dma_start3A_18 = arith.constant 256 : i32
    %dma_start3A_19 = arith.constant 0 : i32
    %dma_start3A_20 = tpu.memref_slice %arg6[%dma_start3A_18, %dma_start3A_19] : memref<512x128xf32, #tpu.memory_space<vmem>> -> memref<128x128xf32, #tpu.memory_space<vmem>>
    %dma_start3A_21 = arith.constant 256 : i32
    %dma_start3A_22 = tpu.memref_slice %arg5[%dma_start3A_21] : memref<512xi32, #tpu.memory_space<vmem>> -> memref<128xi32, #tpu.memory_space<vmem>>
    %dma_start3A_23 = arith.constant 0 : i32
    %dma_start3A_24 = arith.constant 0 : i32
    %dma_start3A_25 = tpu.memref_slice %arg2[%dma_start3A_23, %dma_start3A_24] : memref<8192x128xf32, #tpu.memory_space<hbm>> -> memref<8192x128xf32, #tpu.memory_space<hbm>>
    tpu.enqueue_indirect_dma source(%dma_start3A_25 : memref<8192x128xf32, #tpu.memory_space<hbm>>) target(%dma_start3A_20 : memref<128x128xf32, #tpu.memory_space<vmem>>) offsets(%dma_start3A_22 : memref<128xi32, #tpu.memory_space<vmem>>) semaphore(%arg7 : memref<!tpu.dma_semaphore, #tpu.memory_space<semaphore_mem>>)
    %dma_start3A_26 = arith.constant 384 : i32
    %dma_start3A_27 = arith.constant 0 : i32
    %dma_start3A_28 = tpu.memref_slice %arg6[%dma_start3A_26, %dma_start3A_27] : memref<512x128xf32, #tpu.memory_space<vmem>> -> memref<128x128xf32, #tpu.memory_space<vmem>>
    %dma_start3A_29 = arith.constant 384 : i32
    %dma_start3A_30 = tpu.memref_slice %arg5[%dma_start3A_29] : memref<512xi32, #tpu.memory_space<vmem>> -> memref<128xi32, #tpu.memory_space<vmem>>
    %dma_start3A_31 = arith.constant 0 : i32
    %dma_start3A_32 = arith.constant 0 : i32
    %dma_start3A_33 = tpu.memref_slice %arg2[%dma_start3A_31, %dma_start3A_32] : memref<8192x128xf32, #tpu.memory_space<hbm>> -> memref<8192x128xf32, #tpu.memory_space<hbm>>
    tpu.enqueue_indirect_dma source(%dma_start3A_33 : memref<8192x128xf32, #tpu.memory_space<hbm>>) target(%dma_start3A_28 : memref<128x128xf32, #tpu.memory_space<vmem>>) offsets(%dma_start3A_30 : memref<128xi32, #tpu.memory_space<vmem>>) semaphore(%arg7 : memref<!tpu.dma_semaphore, #tpu.memory_space<semaphore_mem>>)
    %dma_wait3A = arith.constant 0 : i32
    %dma_wait3A_34 = arith.constant 0 : i32
    %dma_wait3A_35 = tpu.memref_slice %arg6[%dma_wait3A, %dma_wait3A_34] : memref<512x128xf32, #tpu.memory_space<vmem>> -> memref<128x128xf32, #tpu.memory_space<vmem>>
    %dma_wait3A_36 = arith.constant 0 : i32
    %dma_wait3A_37 = tpu.memref_slice %arg5[%dma_wait3A_36] : memref<512xi32, #tpu.memory_space<vmem>> -> memref<128xi32, #tpu.memory_space<vmem>>
    %dma_wait3A_38 = arith.constant 0 : i32
    %dma_wait3A_39 = arith.constant 0 : i32
    %dma_wait3A_40 = tpu.memref_slice %arg2[%dma_wait3A_38, %dma_wait3A_39] : memref<8192x128xf32, #tpu.memory_space<hbm>> -> memref<8192x128xf32, #tpu.memory_space<hbm>>
    tpu.wait_indirect_dma semaphore(%arg7 : memref<!tpu.dma_semaphore, #tpu.memory_space<semaphore_mem>>) src(%dma_wait3A_40 : memref<8192x128xf32, #tpu.memory_space<hbm>>) dst(%dma_wait3A_35 : memref<128x128xf32, #tpu.memory_space<vmem>>)
    %dma_wait3A_41 = arith.constant 128 : i32
    %dma_wait3A_42 = arith.constant 0 : i32
    %dma_wait3A_43 = tpu.memref_slice %arg6[%dma_wait3A_41, %dma_wait3A_42] : memref<512x128xf32, #tpu.memory_space<vmem>> -> memref<128x128xf32, #tpu.memory_space<vmem>>
    %dma_wait3A_44 = arith.constant 128 : i32
    %dma_wait3A_45 = tpu.memref_slice %arg5[%dma_wait3A_44] : memref<512xi32, #tpu.memory_space<vmem>> -> memref<128xi32, #tpu.memory_space<vmem>>
    %dma_wait3A_46 = arith.constant 0 : i32
    %dma_wait3A_47 = arith.constant 0 : i32
    %dma_wait3A_48 = tpu.memref_slice %arg2[%dma_wait3A_46, %dma_wait3A_47] : memref<8192x128xf32, #tpu.memory_space<hbm>> -> memref<8192x128xf32, #tpu.memory_space<hbm>>
    tpu.wait_indirect_dma semaphore(%arg7 : memref<!tpu.dma_semaphore, #tpu.memory_space<semaphore_mem>>) src(%dma_wait3A_48 : memref<8192x128xf32, #tpu.memory_space<hbm>>) dst(%dma_wait3A_43 : memref<128x128xf32, #tpu.memory_space<vmem>>)
    %dma_wait3A_49 = arith.constant 256 : i32
    %dma_wait3A_50 = arith.constant 0 : i32
    %dma_wait3A_51 = tpu.memref_slice %arg6[%dma_wait3A_49, %dma_wait3A_50] : memref<512x128xf32, #tpu.memory_space<vmem>> -> memref<128x128xf32, #tpu.memory_space<vmem>>
    %dma_wait3A_52 = arith.constant 256 : i32
    %dma_wait3A_53 = tpu.memref_slice %arg5[%dma_wait3A_52] : memref<512xi32, #tpu.memory_space<vmem>> -> memref<128xi32, #tpu.memory_space<vmem>>
    %dma_wait3A_54 = arith.constant 0 : i32
    %dma_wait3A_55 = arith.constant 0 : i32
    %dma_wait3A_56 = tpu.memref_slice %arg2[%dma_wait3A_54, %dma_wait3A_55] : memref<8192x128xf32, #tpu.memory_space<hbm>> -> memref<8192x128xf32, #tpu.memory_space<hbm>>
    tpu.wait_indirect_dma semaphore(%arg7 : memref<!tpu.dma_semaphore, #tpu.memory_space<semaphore_mem>>) src(%dma_wait3A_56 : memref<8192x128xf32, #tpu.memory_space<hbm>>) dst(%dma_wait3A_51 : memref<128x128xf32, #tpu.memory_space<vmem>>)
    %dma_wait3A_57 = arith.constant 384 : i32
    %dma_wait3A_58 = arith.constant 0 : i32
    %dma_wait3A_59 = tpu.memref_slice %arg6[%dma_wait3A_57, %dma_wait3A_58] : memref<512x128xf32, #tpu.memory_space<vmem>> -> memref<128x128xf32, #tpu.memory_space<vmem>>
    %dma_wait3A_60 = arith.constant 384 : i32
    %dma_wait3A_61 = tpu.memref_slice %arg5[%dma_wait3A_60] : memref<512xi32, #tpu.memory_space<vmem>> -> memref<128xi32, #tpu.memory_space<vmem>>
    %dma_wait3A_62 = arith.constant 0 : i32
    %dma_wait3A_63 = arith.constant 0 : i32
    %dma_wait3A_64 = tpu.memref_slice %arg2[%dma_wait3A_62, %dma_wait3A_63] : memref<8192x128xf32, #tpu.memory_space<hbm>> -> memref<8192x128xf32, #tpu.memory_space<hbm>>
    tpu.wait_indirect_dma semaphore(%arg7 : memref<!tpu.dma_semaphore, #tpu.memory_space<semaphore_mem>>) src(%dma_wait3A_64 : memref<8192x128xf32, #tpu.memory_space<hbm>>) dst(%dma_wait3A_59 : memref<128x128xf32, #tpu.memory_space<vmem>>)
    "tpu.region"() ({
      %run_scoped3A = tpu.sem_alloc : memref<!tpu.dma_semaphore, #tpu.memory_space<semaphore_mem>>
      %dma_start3A_65 = arith.constant 0 : i32
      %dma_start3A_66 = tpu.memref_slice %arg4[%mul3A_2, %dma_start3A_65] : memref<16384x128xf32, #tpu.memory_space<hbm>> -> memref<512x128xf32, #tpu.memory_space<hbm>>
      %dma_start3A_67 = arith.constant 0 : i32
      %dma_start3A_68 = tpu.memref_slice %arg4[%mul3A_2, %dma_start3A_67] : memref<16384x128xf32, #tpu.memory_space<hbm>> -> memref<512x128xf32, #tpu.memory_space<hbm>>
      tpu.enqueue_dma source(%arg6 : memref<512x128xf32, #tpu.memory_space<vmem>>) target(%dma_start3A_68 : memref<512x128xf32, #tpu.memory_space<hbm>>) target_semaphore(%run_scoped3A : memref<!tpu.dma_semaphore, #tpu.memory_space<semaphore_mem>>)
      %dma_wait3A_69 = arith.constant 0 : i32
      %dma_wait3A_70 = tpu.memref_slice %arg4[%mul3A_2, %dma_wait3A_69] : memref<16384x128xf32, #tpu.memory_space<hbm>> -> memref<512x128xf32, #tpu.memory_space<hbm>>
      %dma_wait3A_71 = arith.constant 0 : i32
      %dma_wait3A_72 = tpu.memref_slice %arg4[%mul3A_2, %dma_wait3A_71] : memref<16384x128xf32, #tpu.memory_space<hbm>> -> memref<512x128xf32, #tpu.memory_space<hbm>>
      tpu.wait_dma2 semaphore(%run_scoped3A : memref<!tpu.dma_semaphore, #tpu.memory_space<semaphore_mem>>) src(%arg6 : memref<512x128xf32, #tpu.memory_space<vmem>>) dst(%dma_wait3A_72 : memref<512x128xf32, #tpu.memory_space<hbm>>)
      tpu.yield
    }) : () -> ()
    return
  }
}

#map = affine_map<(d0, d1) -> (0, 0)>
#map1 = affine_map<(d0, d1) -> (0)>
module attributes {stable_mosaic.version = 14 : i64} {
  func.func @gather(%arg0: i32, %arg1: i32, %arg2: memref<8192x128xf32, #tpu.memory_space<hbm>>, %arg3: memref<16384xi32, #tpu.memory_space<hbm>>, %arg4: memref<16384x128xf32, #tpu.memory_space<hbm>>, %arg5: memref<512xi32, #tpu.memory_space<vmem>>, %arg6: memref<512x128xf32, #tpu.memory_space<vmem>>, %arg7: memref<!tpu.dma_semaphore, #tpu.memory_space<semaphore_mem>>) attributes {dimension_semantics = [#tpu.dimension_semantics<core_parallel>, #tpu.dimension_semantics<subcore_parallel>], iteration_bounds = array<i64: 2, 16>, scalar_prefetch = 0 : i64, scratch_operands = 3 : i64, tpu.core_type = #tpu.core_type<sc_vector_subcore>, window_params = [{transform_indices = #map}, {transform_indices = #map1}, {transform_indices = #map}]} {
    %mul3A = arith.constant 2 : i32
    %mul3A_0 = arith.muli %arg1, %mul3A : i32
    %add3A = arith.addi %mul3A_0, %arg0 : i32
    %mul3A_1 = arith.constant 512 : i32
    %mul3A_2 = arith.muli %add3A, %mul3A_1 : i32
    "tpu.region"() ({
      %run_scoped3A = tpu.sem_alloc : memref<!tpu.dma_semaphore, #tpu.memory_space<semaphore_mem>>
      %dma_start3A_65 = tpu.memref_slice %arg3[%mul3A_2] : memref<16384xi32, #tpu.memory_space<hbm>> -> memref<512xi32, #tpu.memory_space<hbm>>
      %dma_start3A_66 = tpu.memref_slice %arg3[%mul3A_2] : memref<16384xi32, #tpu.memory_space<hbm>> -> memref<512xi32, #tpu.memory_space<hbm>>
      tpu.enqueue_dma source(%dma_start3A_66 : memref<512xi32, #tpu.memory_space<hbm>>) target(%arg5 : memref<512xi32, #tpu.memory_space<vmem>>) target_semaphore(%run_scoped3A : memref<!tpu.dma_semaphore, #tpu.memory_space<semaphore_mem>>)
      %dma_wait3A_67 = tpu.memref_slice %arg3[%mul3A_2] : memref<16384xi32, #tpu.memory_space<hbm>> -> memref<512xi32, #tpu.memory_space<hbm>>
      %dma_wait3A_68 = tpu.memref_slice %arg3[%mul3A_2] : memref<16384xi32, #tpu.memory_space<hbm>> -> memref<512xi32, #tpu.memory_space<hbm>>
      tpu.wait_dma2 semaphore(%run_scoped3A : memref<!tpu.dma_semaphore, #tpu.memory_space<semaphore_mem>>) src(%dma_wait3A_68 : memref<512xi32, #tpu.memory_space<hbm>>) dst(%arg5 : memref<512xi32, #tpu.memory_space<vmem>>)
      tpu.yield
    }) : () -> ()
    %dma_start3A = arith.constant 0 : i32
    %dma_start3A_3 = arith.constant 0 : i32
    %dma_start3A_4 = tpu.memref_slice %arg6[%dma_start3A, %dma_start3A_3] : memref<512x128xf32, #tpu.memory_space<vmem>> -> memref<128x128xf32, #tpu.memory_space<vmem>>
    %dma_start3A_5 = arith.constant 0 : i32
    %dma_start3A_6 = tpu.memref_slice %arg5[%dma_start3A_5] : memref<512xi32, #tpu.memory_space<vmem>> -> memref<128xi32, #tpu.memory_space<vmem>>
    %dma_start3A_7 = arith.constant 0 : i32
    %dma_start3A_8 = arith.constant 0 : i32
    %dma_start3A_9 = tpu.memref_slice %arg2[%dma_start3A_7, %dma_start3A_8] : memref<8192x128xf32, #tpu.memory_space<hbm>> -> memref<8192x128xf32, #tpu.memory_space<hbm>>
    tpu.enqueue_indirect_dma source(%dma_start3A_9 : memref<8192x128xf32, #tpu.memory_space<hbm>>) target(%dma_start3A_4 : memref<128x128xf32, #tpu.memory_space<vmem>>) offsets(%dma_start3A_6 : memref<128xi32, #tpu.memory_space<vmem>>) semaphore(%arg7 : memref<!tpu.dma_semaphore, #tpu.memory_space<semaphore_mem>>)
    %dma_start3A_10 = arith.constant 128 : i32
    %dma_start3A_11 = arith.constant 0 : i32
    %dma_start3A_12 = tpu.memref_slice %arg6[%dma_start3A_10, %dma_start3A_11] : memref<512x128xf32, #tpu.memory_space<vmem>> -> memref<128x128xf32, #tpu.memory_space<vmem>>
    %dma_start3A_13 = arith.constant 128 : i32
    %dma_start3A_14 = tpu.memref_slice %arg5[%dma_start3A_13] : memref<512xi32, #tpu.memory_space<vmem>> -> memref<128xi32, #tpu.memory_space<vmem>>
    %dma_start3A_15 = arith.constant 0 : i32
    %dma_start3A_16 = arith.constant 0 : i32
    %dma_start3A_17 = tpu.memref_slice %arg2[%dma_start3A_15, %dma_start3A_16] : memref<8192x128xf32, #tpu.memory_space<hbm>> -> memref<8192x128xf32, #tpu.memory_space<hbm>>
    tpu.enqueue_indirect_dma source(%dma_start3A_17 : memref<8192x128xf32, #tpu.memory_space<hbm>>) target(%dma_start3A_12 : memref<128x128xf32, #tpu.memory_space<vmem>>) offsets(%dma_start3A_14 : memref<128xi32, #tpu.memory_space<vmem>>) semaphore(%arg7 : memref<!tpu.dma_semaphore, #tpu.memory_space<semaphore_mem>>)
    %dma_start3A_18 = arith.constant 256 : i32
    %dma_start3A_19 = arith.constant 0 : i32
    %dma_start3A_20 = tpu.memref_slice %arg6[%dma_start3A_18, %dma_start3A_19] : memref<512x128xf32, #tpu.memory_space<vmem>> -> memref<128x128xf32, #tpu.memory_space<vmem>>
    %dma_start3A_21 = arith.constant 256 : i32
    %dma_start3A_22 = tpu.memref_slice %arg5[%dma_start3A_21] : memref<512xi32, #tpu.memory_space<vmem>> -> memref<128xi32, #tpu.memory_space<vmem>>
    %dma_start3A_23 = arith.constant 0 : i32
    %dma_start3A_24 = arith.constant 0 : i32
    %dma_start3A_25 = tpu.memref_slice %arg2[%dma_start3A_23, %dma_start3A_24] : memref<8192x128xf32, #tpu.memory_space<hbm>> -> memref<8192x128xf32, #tpu.memory_space<hbm>>
    tpu.enqueue_indirect_dma source(%dma_start3A_25 : memref<8192x128xf32, #tpu.memory_space<hbm>>) target(%dma_start3A_20 : memref<128x128xf32, #tpu.memory_space<vmem>>) offsets(%dma_start3A_22 : memref<128xi32, #tpu.memory_space<vmem>>) semaphore(%arg7 : memref<!tpu.dma_semaphore, #tpu.memory_space<semaphore_mem>>)
    %dma_start3A_26 = arith.constant 384 : i32
    %dma_start3A_27 = arith.constant 0 : i32
    %dma_start3A_28 = tpu.memref_slice %arg6[%dma_start3A_26, %dma_start3A_27] : memref<512x128xf32, #tpu.memory_space<vmem>> -> memref<128x128xf32, #tpu.memory_space<vmem>>
    %dma_start3A_29 = arith.constant 384 : i32
    %dma_start3A_30 = tpu.memref_slice %arg5[%dma_start3A_29] : memref<512xi32, #tpu.memory_space<vmem>> -> memref<128xi32, #tpu.memory_space<vmem>>
    %dma_start3A_31 = arith.constant 0 : i32
    %dma_start3A_32 = arith.constant 0 : i32
    %dma_start3A_33 = tpu.memref_slice %arg2[%dma_start3A_31, %dma_start3A_32] : memref<8192x128xf32, #tpu.memory_space<hbm>> -> memref<8192x128xf32, #tpu.memory_space<hbm>>
    tpu.enqueue_indirect_dma source(%dma_start3A_33 : memref<8192x128xf32, #tpu.memory_space<hbm>>) target(%dma_start3A_28 : memref<128x128xf32, #tpu.memory_space<vmem>>) offsets(%dma_start3A_30 : memref<128xi32, #tpu.memory_space<vmem>>) semaphore(%arg7 : memref<!tpu.dma_semaphore, #tpu.memory_space<semaphore_mem>>)
    %dma_wait3A = arith.constant 0 : i32
    %dma_wait3A_34 = arith.constant 0 : i32
    %dma_wait3A_35 = tpu.memref_slice %arg6[%dma_wait3A, %dma_wait3A_34] : memref<512x128xf32, #tpu.memory_space<vmem>> -> memref<128x128xf32, #tpu.memory_space<vmem>>
    %dma_wait3A_36 = arith.constant 0 : i32
    %dma_wait3A_37 = tpu.memref_slice %arg5[%dma_wait3A_36] : memref<512xi32, #tpu.memory_space<vmem>> -> memref<128xi32, #tpu.memory_space<vmem>>
    %dma_wait3A_38 = arith.constant 0 : i32
    %dma_wait3A_39 = arith.constant 0 : i32
    %dma_wait3A_40 = tpu.memref_slice %arg2[%dma_wait3A_38, %dma_wait3A_39] : memref<8192x128xf32, #tpu.memory_space<hbm>> -> memref<8192x128xf32, #tpu.memory_space<hbm>>
    tpu.wait_indirect_dma semaphore(%arg7 : memref<!tpu.dma_semaphore, #tpu.memory_space<semaphore_mem>>) src(%dma_wait3A_40 : memref<8192x128xf32, #tpu.memory_space<hbm>>) dst(%dma_wait3A_35 : memref<128x128xf32, #tpu.memory_space<vmem>>)
    %dma_wait3A_41 = arith.constant 128 : i32
    %dma_wait3A_42 = arith.constant 0 : i32
    %dma_wait3A_43 = tpu.memref_slice %arg6[%dma_wait3A_41, %dma_wait3A_42] : memref<512x128xf32, #tpu.memory_space<vmem>> -> memref<128x128xf32, #tpu.memory_space<vmem>>
    %dma_wait3A_44 = arith.constant 128 : i32
    %dma_wait3A_45 = tpu.memref_slice %arg5[%dma_wait3A_44] : memref<512xi32, #tpu.memory_space<vmem>> -> memref<128xi32, #tpu.memory_space<vmem>>
    %dma_wait3A_46 = arith.constant 0 : i32
    %dma_wait3A_47 = arith.constant 0 : i32
    %dma_wait3A_48 = tpu.memref_slice %arg2[%dma_wait3A_46, %dma_wait3A_47] : memref<8192x128xf32, #tpu.memory_space<hbm>> -> memref<8192x128xf32, #tpu.memory_space<hbm>>
    tpu.wait_indirect_dma semaphore(%arg7 : memref<!tpu.dma_semaphore, #tpu.memory_space<semaphore_mem>>) src(%dma_wait3A_48 : memref<8192x128xf32, #tpu.memory_space<hbm>>) dst(%dma_wait3A_43 : memref<128x128xf32, #tpu.memory_space<vmem>>)
    %dma_wait3A_49 = arith.constant 256 : i32
    %dma_wait3A_50 = arith.constant 0 : i32
    %dma_wait3A_51 = tpu.memref_slice %arg6[%dma_wait3A_49, %dma_wait3A_50] : memref<512x128xf32, #tpu.memory_space<vmem>> -> memref<128x128xf32, #tpu.memory_space<vmem>>
    %dma_wait3A_52 = arith.constant 256 : i32
    %dma_wait3A_53 = tpu.memref_slice %arg5[%dma_wait3A_52] : memref<512xi32, #tpu.memory_space<vmem>> -> memref<128xi32, #tpu.memory_space<vmem>>
    %dma_wait3A_54 = arith.constant 0 : i32
    %dma_wait3A_55 = arith.constant 0 : i32
    %dma_wait3A_56 = tpu.memref_slice %arg2[%dma_wait3A_54, %dma_wait3A_55] : memref<8192x128xf32, #tpu.memory_space<hbm>> -> memref<8192x128xf32, #tpu.memory_space<hbm>>
    tpu.wait_indirect_dma semaphore(%arg7 : memref<!tpu.dma_semaphore, #tpu.memory_space<semaphore_mem>>) src(%dma_wait3A_56 : memref<8192x128xf32, #tpu.memory_space<hbm>>) dst(%dma_wait3A_51 : memref<128x128xf32, #tpu.memory_space<vmem>>)
    %dma_wait3A_57 = arith.constant 384 : i32
    %dma_wait3A_58 = arith.constant 0 : i32
    %dma_wait3A_59 = tpu.memref_slice %arg6[%dma_wait3A_57, %dma_wait3A_58] : memref<512x128xf32, #tpu.memory_space<vmem>> -> memref<128x128xf32, #tpu.memory_space<vmem>>
    %dma_wait3A_60 = arith.constant 384 : i32
    %dma_wait3A_61 = tpu.memref_slice %arg5[%dma_wait3A_60] : memref<512xi32, #tpu.memory_space<vmem>> -> memref<128xi32, #tpu.memory_space<vmem>>
    %dma_wait3A_62 = arith.constant 0 : i32
    %dma_wait3A_63 = arith.constant 0 : i32
    %dma_wait3A_64 = tpu.memref_slice %arg2[%dma_wait3A_62, %dma_wait3A_63] : memref<8192x128xf32, #tpu.memory_space<hbm>> -> memref<8192x128xf32, #tpu.memory_space<hbm>>
    tpu.wait_indirect_dma semaphore(%arg7 : memref<!tpu.dma_semaphore, #tpu.memory_space<semaphore_mem>>) src(%dma_wait3A_64 : memref<8192x128xf32, #tpu.memory_space<hbm>>) dst(%dma_wait3A_59 : memref<128x128xf32, #tpu.memory_space<vmem>>)
    "tpu.region"() ({
      %run_scoped3A = tpu.sem_alloc : memref<!tpu.dma_semaphore, #tpu.memory_space<semaphore_mem>>
      %dma_start3A_65 = arith.constant 0 : i32
      %dma_start3A_66 = tpu.memref_slice %arg4[%mul3A_2, %dma_start3A_65] : memref<16384x128xf32, #tpu.memory_space<hbm>> -> memref<512x128xf32, #tpu.memory_space<hbm>>
      %dma_start3A_67 = arith.constant 0 : i32
      %dma_start3A_68 = tpu.memref_slice %arg4[%mul3A_2, %dma_start3A_67] : memref<16384x128xf32, #tpu.memory_space<hbm>> -> memref<512x128xf32, #tpu.memory_space<hbm>>
      tpu.enqueue_dma source(%arg6 : memref<512x128xf32, #tpu.memory_space<vmem>>) target(%dma_start3A_68 : memref<512x128xf32, #tpu.memory_space<hbm>>) target_semaphore(%run_scoped3A : memref<!tpu.dma_semaphore, #tpu.memory_space<semaphore_mem>>)
      %dma_wait3A_69 = arith.constant 0 : i32
      %dma_wait3A_70 = tpu.memref_slice %arg4[%mul3A_2, %dma_wait3A_69] : memref<16384x128xf32, #tpu.memory_space<hbm>> -> memref<512x128xf32, #tpu.memory_space<hbm>>
      %dma_wait3A_71 = arith.constant 0 : i32
      %dma_wait3A_72 = tpu.memref_slice %arg4[%mul3A_2, %dma_wait3A_71] : memref<16384x128xf32, #tpu.memory_space<hbm>> -> memref<512x128xf32, #tpu.memory_space<hbm>>
      tpu.wait_dma2 semaphore(%run_scoped3A : memref<!tpu.dma_semaphore, #tpu.memory_space<semaphore_mem>>) src(%arg6 : memref<512x128xf32, #tpu.memory_space<vmem>>) dst(%dma_wait3A_72 : memref<512x128xf32, #tpu.memory_space<hbm>>)
      tpu.yield
    }) : () -> ()
    return
  }
}

#map = affine_map<(d0, d1) -> (0, 0)>
#map1 = affine_map<(d0, d1) -> (0)>
module attributes {stable_mosaic.version = 14 : i64} {
  func.func @gather(%arg0: i32, %arg1: i32, %arg2: memref<8192x128xf32, #tpu.memory_space<hbm>>, %arg3: memref<16384xi32, #tpu.memory_space<hbm>>, %arg4: memref<16384x128xf32, #tpu.memory_space<hbm>>, %arg5: memref<512xi32, #tpu.memory_space<vmem>>, %arg6: memref<512x128xf32, #tpu.memory_space<vmem>>, %arg7: memref<!tpu.dma_semaphore, #tpu.memory_space<semaphore_mem>>) attributes {dimension_semantics = [#tpu.dimension_semantics<core_parallel>, #tpu.dimension_semantics<subcore_parallel>], iteration_bounds = array<i64: 2, 16>, scalar_prefetch = 0 : i64, scratch_operands = 3 : i64, tpu.core_type = #tpu.core_type<sc_vector_subcore>, window_params = [{transform_indices = #map}, {transform_indices = #map1}, {transform_indices = #map}]} {
    %mul3A = arith.constant 2 : i32
    %mul3A_0 = arith.muli %arg1, %mul3A : i32
    %add3A = arith.addi %mul3A_0, %arg0 : i32
    %mul3A_1 = arith.constant 512 : i32
    %mul3A_2 = arith.muli %add3A, %mul3A_1 : i32
    "tpu.region"() ({
      %run_scoped3A = tpu.sem_alloc : memref<!tpu.dma_semaphore, #tpu.memory_space<semaphore_mem>>
      %dma_start3A_65 = tpu.memref_slice %arg3[%mul3A_2] : memref<16384xi32, #tpu.memory_space<hbm>> -> memref<512xi32, #tpu.memory_space<hbm>>
      %dma_start3A_66 = tpu.memref_slice %arg3[%mul3A_2] : memref<16384xi32, #tpu.memory_space<hbm>> -> memref<512xi32, #tpu.memory_space<hbm>>
      tpu.enqueue_dma source(%dma_start3A_66 : memref<512xi32, #tpu.memory_space<hbm>>) target(%arg5 : memref<512xi32, #tpu.memory_space<vmem>>) target_semaphore(%run_scoped3A : memref<!tpu.dma_semaphore, #tpu.memory_space<semaphore_mem>>)
      %dma_wait3A_67 = tpu.memref_slice %arg3[%mul3A_2] : memref<16384xi32, #tpu.memory_space<hbm>> -> memref<512xi32, #tpu.memory_space<hbm>>
      %dma_wait3A_68 = tpu.memref_slice %arg3[%mul3A_2] : memref<16384xi32, #tpu.memory_space<hbm>> -> memref<512xi32, #tpu.memory_space<hbm>>
      tpu.wait_dma2 semaphore(%run_scoped3A : memref<!tpu.dma_semaphore, #tpu.memory_space<semaphore_mem>>) src(%dma_wait3A_68 : memref<512xi32, #tpu.memory_space<hbm>>) dst(%arg5 : memref<512xi32, #tpu.memory_space<vmem>>)
      tpu.yield
    }) : () -> ()
    %dma_start3A = arith.constant 0 : i32
    %dma_start3A_3 = arith.constant 0 : i32
    %dma_start3A_4 = tpu.memref_slice %arg6[%dma_start3A, %dma_start3A_3] : memref<512x128xf32, #tpu.memory_space<vmem>> -> memref<128x128xf32, #tpu.memory_space<vmem>>
    %dma_start3A_5 = arith.constant 0 : i32
    %dma_start3A_6 = tpu.memref_slice %arg5[%dma_start3A_5] : memref<512xi32, #tpu.memory_space<vmem>> -> memref<128xi32, #tpu.memory_space<vmem>>
    %dma_start3A_7 = arith.constant 0 : i32
    %dma_start3A_8 = arith.constant 0 : i32
    %dma_start3A_9 = tpu.memref_slice %arg2[%dma_start3A_7, %dma_start3A_8] : memref<8192x128xf32, #tpu.memory_space<hbm>> -> memref<8192x128xf32, #tpu.memory_space<hbm>>
    tpu.enqueue_indirect_dma source(%dma_start3A_9 : memref<8192x128xf32, #tpu.memory_space<hbm>>) target(%dma_start3A_4 : memref<128x128xf32, #tpu.memory_space<vmem>>) offsets(%dma_start3A_6 : memref<128xi32, #tpu.memory_space<vmem>>) semaphore(%arg7 : memref<!tpu.dma_semaphore, #tpu.memory_space<semaphore_mem>>)
    %dma_start3A_10 = arith.constant 128 : i32
    %dma_start3A_11 = arith.constant 0 : i32
    %dma_start3A_12 = tpu.memref_slice %arg6[%dma_start3A_10, %dma_start3A_11] : memref<512x128xf32, #tpu.memory_space<vmem>> -> memref<128x128xf32, #tpu.memory_space<vmem>>
    %dma_start3A_13 = arith.constant 128 : i32
    %dma_start3A_14 = tpu.memref_slice %arg5[%dma_start3A_13] : memref<512xi32, #tpu.memory_space<vmem>> -> memref<128xi32, #tpu.memory_space<vmem>>
    %dma_start3A_15 = arith.constant 0 : i32
    %dma_start3A_16 = arith.constant 0 : i32
    %dma_start3A_17 = tpu.memref_slice %arg2[%dma_start3A_15, %dma_start3A_16] : memref<8192x128xf32, #tpu.memory_space<hbm>> -> memref<8192x128xf32, #tpu.memory_space<hbm>>
    tpu.enqueue_indirect_dma source(%dma_start3A_17 : memref<8192x128xf32, #tpu.memory_space<hbm>>) target(%dma_start3A_12 : memref<128x128xf32, #tpu.memory_space<vmem>>) offsets(%dma_start3A_14 : memref<128xi32, #tpu.memory_space<vmem>>) semaphore(%arg7 : memref<!tpu.dma_semaphore, #tpu.memory_space<semaphore_mem>>)
    %dma_start3A_18 = arith.constant 256 : i32
    %dma_start3A_19 = arith.constant 0 : i32
    %dma_start3A_20 = tpu.memref_slice %arg6[%dma_start3A_18, %dma_start3A_19] : memref<512x128xf32, #tpu.memory_space<vmem>> -> memref<128x128xf32, #tpu.memory_space<vmem>>
    %dma_start3A_21 = arith.constant 256 : i32
    %dma_start3A_22 = tpu.memref_slice %arg5[%dma_start3A_21] : memref<512xi32, #tpu.memory_space<vmem>> -> memref<128xi32, #tpu.memory_space<vmem>>
    %dma_start3A_23 = arith.constant 0 : i32
    %dma_start3A_24 = arith.constant 0 : i32
    %dma_start3A_25 = tpu.memref_slice %arg2[%dma_start3A_23, %dma_start3A_24] : memref<8192x128xf32, #tpu.memory_space<hbm>> -> memref<8192x128xf32, #tpu.memory_space<hbm>>
    tpu.enqueue_indirect_dma source(%dma_start3A_25 : memref<8192x128xf32, #tpu.memory_space<hbm>>) target(%dma_start3A_20 : memref<128x128xf32, #tpu.memory_space<vmem>>) offsets(%dma_start3A_22 : memref<128xi32, #tpu.memory_space<vmem>>) semaphore(%arg7 : memref<!tpu.dma_semaphore, #tpu.memory_space<semaphore_mem>>)
    %dma_start3A_26 = arith.constant 384 : i32
    %dma_start3A_27 = arith.constant 0 : i32
    %dma_start3A_28 = tpu.memref_slice %arg6[%dma_start3A_26, %dma_start3A_27] : memref<512x128xf32, #tpu.memory_space<vmem>> -> memref<128x128xf32, #tpu.memory_space<vmem>>
    %dma_start3A_29 = arith.constant 384 : i32
    %dma_start3A_30 = tpu.memref_slice %arg5[%dma_start3A_29] : memref<512xi32, #tpu.memory_space<vmem>> -> memref<128xi32, #tpu.memory_space<vmem>>
    %dma_start3A_31 = arith.constant 0 : i32
    %dma_start3A_32 = arith.constant 0 : i32
    %dma_start3A_33 = tpu.memref_slice %arg2[%dma_start3A_31, %dma_start3A_32] : memref<8192x128xf32, #tpu.memory_space<hbm>> -> memref<8192x128xf32, #tpu.memory_space<hbm>>
    tpu.enqueue_indirect_dma source(%dma_start3A_33 : memref<8192x128xf32, #tpu.memory_space<hbm>>) target(%dma_start3A_28 : memref<128x128xf32, #tpu.memory_space<vmem>>) offsets(%dma_start3A_30 : memref<128xi32, #tpu.memory_space<vmem>>) semaphore(%arg7 : memref<!tpu.dma_semaphore, #tpu.memory_space<semaphore_mem>>)
    %dma_wait3A = arith.constant 0 : i32
    %dma_wait3A_34 = arith.constant 0 : i32
    %dma_wait3A_35 = tpu.memref_slice %arg6[%dma_wait3A, %dma_wait3A_34] : memref<512x128xf32, #tpu.memory_space<vmem>> -> memref<128x128xf32, #tpu.memory_space<vmem>>
    %dma_wait3A_36 = arith.constant 0 : i32
    %dma_wait3A_37 = tpu.memref_slice %arg5[%dma_wait3A_36] : memref<512xi32, #tpu.memory_space<vmem>> -> memref<128xi32, #tpu.memory_space<vmem>>
    %dma_wait3A_38 = arith.constant 0 : i32
    %dma_wait3A_39 = arith.constant 0 : i32
    %dma_wait3A_40 = tpu.memref_slice %arg2[%dma_wait3A_38, %dma_wait3A_39] : memref<8192x128xf32, #tpu.memory_space<hbm>> -> memref<8192x128xf32, #tpu.memory_space<hbm>>
    tpu.wait_indirect_dma semaphore(%arg7 : memref<!tpu.dma_semaphore, #tpu.memory_space<semaphore_mem>>) src(%dma_wait3A_40 : memref<8192x128xf32, #tpu.memory_space<hbm>>) dst(%dma_wait3A_35 : memref<128x128xf32, #tpu.memory_space<vmem>>)
    %dma_wait3A_41 = arith.constant 128 : i32
    %dma_wait3A_42 = arith.constant 0 : i32
    %dma_wait3A_43 = tpu.memref_slice %arg6[%dma_wait3A_41, %dma_wait3A_42] : memref<512x128xf32, #tpu.memory_space<vmem>> -> memref<128x128xf32, #tpu.memory_space<vmem>>
    %dma_wait3A_44 = arith.constant 128 : i32
    %dma_wait3A_45 = tpu.memref_slice %arg5[%dma_wait3A_44] : memref<512xi32, #tpu.memory_space<vmem>> -> memref<128xi32, #tpu.memory_space<vmem>>
    %dma_wait3A_46 = arith.constant 0 : i32
    %dma_wait3A_47 = arith.constant 0 : i32
    %dma_wait3A_48 = tpu.memref_slice %arg2[%dma_wait3A_46, %dma_wait3A_47] : memref<8192x128xf32, #tpu.memory_space<hbm>> -> memref<8192x128xf32, #tpu.memory_space<hbm>>
    tpu.wait_indirect_dma semaphore(%arg7 : memref<!tpu.dma_semaphore, #tpu.memory_space<semaphore_mem>>) src(%dma_wait3A_48 : memref<8192x128xf32, #tpu.memory_space<hbm>>) dst(%dma_wait3A_43 : memref<128x128xf32, #tpu.memory_space<vmem>>)
    %dma_wait3A_49 = arith.constant 256 : i32
    %dma_wait3A_50 = arith.constant 0 : i32
    %dma_wait3A_51 = tpu.memref_slice %arg6[%dma_wait3A_49, %dma_wait3A_50] : memref<512x128xf32, #tpu.memory_space<vmem>> -> memref<128x128xf32, #tpu.memory_space<vmem>>
    %dma_wait3A_52 = arith.constant 256 : i32
    %dma_wait3A_53 = tpu.memref_slice %arg5[%dma_wait3A_52] : memref<512xi32, #tpu.memory_space<vmem>> -> memref<128xi32, #tpu.memory_space<vmem>>
    %dma_wait3A_54 = arith.constant 0 : i32
    %dma_wait3A_55 = arith.constant 0 : i32
    %dma_wait3A_56 = tpu.memref_slice %arg2[%dma_wait3A_54, %dma_wait3A_55] : memref<8192x128xf32, #tpu.memory_space<hbm>> -> memref<8192x128xf32, #tpu.memory_space<hbm>>
    tpu.wait_indirect_dma semaphore(%arg7 : memref<!tpu.dma_semaphore, #tpu.memory_space<semaphore_mem>>) src(%dma_wait3A_56 : memref<8192x128xf32, #tpu.memory_space<hbm>>) dst(%dma_wait3A_51 : memref<128x128xf32, #tpu.memory_space<vmem>>)
    %dma_wait3A_57 = arith.constant 384 : i32
    %dma_wait3A_58 = arith.constant 0 : i32
    %dma_wait3A_59 = tpu.memref_slice %arg6[%dma_wait3A_57, %dma_wait3A_58] : memref<512x128xf32, #tpu.memory_space<vmem>> -> memref<128x128xf32, #tpu.memory_space<vmem>>
    %dma_wait3A_60 = arith.constant 384 : i32
    %dma_wait3A_61 = tpu.memref_slice %arg5[%dma_wait3A_60] : memref<512xi32, #tpu.memory_space<vmem>> -> memref<128xi32, #tpu.memory_space<vmem>>
    %dma_wait3A_62 = arith.constant 0 : i32
    %dma_wait3A_63 = arith.constant 0 : i32
    %dma_wait3A_64 = tpu.memref_slice %arg2[%dma_wait3A_62, %dma_wait3A_63] : memref<8192x128xf32, #tpu.memory_space<hbm>> -> memref<8192x128xf32, #tpu.memory_space<hbm>>
    tpu.wait_indirect_dma semaphore(%arg7 : memref<!tpu.dma_semaphore, #tpu.memory_space<semaphore_mem>>) src(%dma_wait3A_64 : memref<8192x128xf32, #tpu.memory_space<hbm>>) dst(%dma_wait3A_59 : memref<128x128xf32, #tpu.memory_space<vmem>>)
    "tpu.region"() ({
      %run_scoped3A = tpu.sem_alloc : memref<!tpu.dma_semaphore, #tpu.memory_space<semaphore_mem>>
      %dma_start3A_65 = arith.constant 0 : i32
      %dma_start3A_66 = tpu.memref_slice %arg4[%mul3A_2, %dma_start3A_65] : memref<16384x128xf32, #tpu.memory_space<hbm>> -> memref<512x128xf32, #tpu.memory_space<hbm>>
      %dma_start3A_67 = arith.constant 0 : i32
      %dma_start3A_68 = tpu.memref_slice %arg4[%mul3A_2, %dma_start3A_67] : memref<16384x128xf32, #tpu.memory_space<hbm>> -> memref<512x128xf32, #tpu.memory_space<hbm>>
      tpu.enqueue_dma source(%arg6 : memref<512x128xf32, #tpu.memory_space<vmem>>) target(%dma_start3A_68 : memref<512x128xf32, #tpu.memory_space<hbm>>) target_semaphore(%run_scoped3A : memref<!tpu.dma_semaphore, #tpu.memory_space<semaphore_mem>>)
      %dma_wait3A_69 = arith.constant 0 : i32
      %dma_wait3A_70 = tpu.memref_slice %arg4[%mul3A_2, %dma_wait3A_69] : memref<16384x128xf32, #tpu.memory_space<hbm>> -> memref<512x128xf32, #tpu.memory_space<hbm>>
      %dma_wait3A_71 = arith.constant 0 : i32
      %dma_wait3A_72 = tpu.memref_slice %arg4[%mul3A_2, %dma_wait3A_71] : memref<16384x128xf32, #tpu.memory_space<hbm>> -> memref<512x128xf32, #tpu.memory_space<hbm>>
      tpu.wait_dma2 semaphore(%run_scoped3A : memref<!tpu.dma_semaphore, #tpu.memory_space<semaphore_mem>>) src(%arg6 : memref<512x128xf32, #tpu.memory_space<vmem>>) dst(%dma_wait3A_72 : memref<512x128xf32, #tpu.memory_space<hbm>>)
      tpu.yield
    }) : () -> ()
    return
  }
}

module attributes {stable_mosaic.version = 14 : i64} {
  func.func @_argmax_kernel(%arg0: i32, %arg1: memref<512x32xf32, #tpu.memory_space<vmem>>, %arg2: memref<8192x32xf32, #tpu.memory_space<vmem>>, %arg3: memref<512x32xf32, #tpu.memory_space<vmem>>, %arg4: memref<512x128xf32, #tpu.memory_space<vmem>>, %arg5: memref<8x512xi32, #tpu.memory_space<vmem>>, %arg6: memref<8x128xf32, #tpu.memory_space<vmem>>) attributes {dimension_semantics = [#tpu.dimension_semantics<arbitrary>], iteration_bounds = array<i64: 32>, scalar_prefetch = 0 : i64, scratch_operands = 0 : i64, tpu.core_type = #tpu.core_type<tc>, window_params = [{transform_indices = @transform_0, window_bounds = array<i64: 512, 32>}, {pipeline_mode = #tpu.pipeline_mode<synchronous>, transform_indices = @transform_1, window_bounds = array<i64: 8192, 32>}, {transform_indices = @transform_2, window_bounds = array<i64: 512, 32>}, {transform_indices = @transform_3, window_bounds = array<i64: 512, 128>}, {transform_indices = @transform_4, window_bounds = array<i64: 8, 512>}, {pipeline_mode = #tpu.pipeline_mode<synchronous>, transform_indices = @transform_5, window_bounds = array<i64: 8, 128>}]} {
    %eq3A = arith.constant 0 : i32
    %eq3A_0 = arith.cmpi eq, %arg0, %eq3A : i32
    %convert_element_type3A = arith.extui %eq3A_0 : i1 to i32
    %cond3A = arith.constant 0 : i32
    %cond3A_1 = arith.cmpi ne, %convert_element_type3A, %cond3A : i32
    scf.if %cond3A_1 {
      %broadcast_in_dim3A_24 = arith.constant 0.000000e+00 : f32
      %broadcast_in_dim3A_25 = vector.broadcast %broadcast_in_dim3A_24 : f32 to vector<8x128xf32>
      %swap3A_26 = arith.constant 0 : index
      %swap3A_27 = arith.constant 0 : index
      %swap3A_28 = vector.load %arg6[%swap3A_26, %swap3A_27] : memref<8x128xf32, #tpu.memory_space<vmem>>, vector<8x128xf32>
      tpu.vector_store %arg6[%swap3A_26, %swap3A_27], %broadcast_in_dim3A_25 {strides = array<i32>} : memref<8x128xf32, #tpu.memory_space<vmem>>, vector<8x128xf32>,
    } else {
    }
    %get3A = arith.constant 0 : index
    %get3A_2 = arith.constant 0 : index
    %get3A_3 = vector.load %arg1[%get3A, %get3A_2] : memref<512x32xf32, #tpu.memory_space<vmem>>, vector<512x32xf32>
    %convert_element_type3A_4 = arith.truncf %get3A_3 : vector<512x32xf32> to vector<512x32xbf16>
    %broadcast_in_dim3A = arith.constant 0xFF800000 : f32
    %broadcast_in_dim3A_5 = vector.broadcast %broadcast_in_dim3A : f32 to vector<512x1xf32>
    %broadcast_in_dim3A_6 = arith.constant 0 : i32
    %broadcast_in_dim3A_7 = vector.broadcast %broadcast_in_dim3A_6 : i32 to vector<512x1xi32>
    %broadcast_in_dim3A_8 = arith.constant 0 : i32
    %broadcast_in_dim3A_9 = vector.broadcast %broadcast_in_dim3A_8 : i32 to vector<512x1xi32>
    %broadcast_in_dim3A_10 = arith.constant 0 : i32
    %broadcast_in_dim3A_11 = vector.broadcast %broadcast_in_dim3A_10 : i32 to vector<512x1xi32>
    %scan3A = arith.constant 0 : i32
    %scan3A_12 = arith.constant 16 : i32
    %scan3A_13 = arith.addi %scan3A, %scan3A_12 : i32
    %scan3A_14 = arith.constant 1 : i32
    %scan3A_15:4 = scf.for %scan3A_24 = %scan3A to %scan3A_13 step %scan3A_14 iter_args(%scan3A_25 = %broadcast_in_dim3A_5, %scan3A_26 = %broadcast_in_dim3A_7, %scan3A_27 = %broadcast_in_dim3A_9, %scan3A_28 = %broadcast_in_dim3A_11) -> (vector<512x1xf32>, vector<512x1xi32>, vector<512x1xi32>, vector<512x1xi32>)  : i32 {
      %mul3A = arith.constant 512 : i32
      %mul3A_29 = arith.muli %scan3A_24, %mul3A : i32
      %get3A_30 = arith.index_cast %mul3A_29 : i32 to index
      %get3A_31 = arith.constant 0 : index
      %get3A_32 = vector.load %arg2[%get3A_30, %get3A_31] : memref<8192x32xf32, #tpu.memory_space<vmem>>, vector<512x32xf32>
      %convert_element_type3A_33 = arith.truncf %get3A_32 : vector<512x32xf32> to vector<512x32xbf16>
      %dot_general3A = arith.constant dense<0.000000e+00> : vector<512x512xf32>
      %dot_general3A_34 = tpu.matmul %convert_element_type3A_4, %convert_element_type3A_33, %dot_general3A {dimension_numbers = #tpu.dot_dimension_numbers<[1], [1], [0], [0], [0, 0, 1, 0], [], []>, transpose_lhs_hint = false} : vector<512x32xbf16>, vector<512x32xbf16>, vector<512x512xf32> -> vector<512x512xf32>
      %convert_element_type3A_35 = arith.truncf %dot_general3A_34 : vector<512x512xf32> to vector<512x512xbf16>
      %convert_element_type3A_36 = arith.extf %convert_element_type3A_35 : vector<512x512xbf16> to vector<512x512xf32>
      %reduce_max3A = arith.constant dense<0xFF800000> : vector<512xf32>
      %reduce_max3A_37 = vector.multi_reduction <maximumf>, %convert_element_type3A_36, %reduce_max3A [1] : vector<512x512xf32> to vector<512xf32>
      %broadcast_in_dim3A_38 = vector.shape_cast %reduce_max3A_37 : vector<512xf32> to vector<512x1xf32>
      %iota3A = tpu.iota {dimensions = array<i32: 1>} : vector<512x512xi32>
      %eq3A_39 = vector.broadcast %broadcast_in_dim3A_38 : vector<512x1xf32> to vector<512x512xf32>
      %eq3A_40 = arith.cmpf oeq, %convert_element_type3A_36, %eq3A_39 : vector<512x512xf32>
      %gt3A_41 = vector.broadcast %broadcast_in_dim3A_38 : vector<512x1xf32> to vector<512x512xf32>
      %gt3A_42 = arith.cmpf ogt, %dot_general3A_34, %gt3A_41 : vector<512x512xf32>
      %and3A = arith.andi %eq3A_40, %gt3A_42 : vector<512x512xi1>
      %jit3A = arith.constant 512 : i32
      %broadcast_in_dim3A_43 = vector.broadcast %jit3A : i32 to vector<512x512xi32>
      %select_n3A_44 = arith.select %eq3A_40, %iota3A, %broadcast_in_dim3A_43 : vector<512x512xi1>, vector<512x512xi32>
      %reduce_min3A = arith.constant dense<2147483647> : vector<512xi32>
      %reduce_min3A_45 = vector.multi_reduction <minsi>, %select_n3A_44, %reduce_min3A [1] : vector<512x512xi32> to vector<512xi32>
      %broadcast_in_dim3A_46 = vector.shape_cast %reduce_min3A_45 : vector<512xi32> to vector<512x1xi32>
      %mul3A_47 = arith.constant 512 : i32
      %mul3A_48 = arith.muli %scan3A_24, %mul3A_47 : i32
      %add3A = vector.broadcast %mul3A_48 : i32 to vector<512x1xi32>
      %add3A_49 = arith.addi %broadcast_in_dim3A_46, %add3A : vector<512x1xi32>
      %jit3A_50 = arith.constant -1 : i32
      %broadcast_in_dim3A_51 = vector.broadcast %jit3A_50 : i32 to vector<512x512xi32>
      %select_n3A_52 = arith.select %and3A, %iota3A, %broadcast_in_dim3A_51 : vector<512x512xi1>, vector<512x512xi32>
      %reduce_max3A_53 = arith.constant dense<-2147483648> : vector<512xi32>
      %reduce_max3A_54 = vector.multi_reduction <maxsi>, %select_n3A_52, %reduce_max3A_53 [1] : vector<512x512xi32> to vector<512xi32>
      %broadcast_in_dim3A_55 = vector.shape_cast %reduce_max3A_54 : vector<512xi32> to vector<512x1xi32>
      %ge3A = arith.constant 0 : i32
      %ge3A_56 = vector.broadcast %ge3A : i32 to vector<512x1xi32>
      %ge3A_57 = arith.cmpi sge, %broadcast_in_dim3A_55, %ge3A_56 : vector<512x1xi32>
      %convert_element_type3A_58 = arith.extui %ge3A_57 : vector<512x1xi1> to vector<512x1xi32>
      %mul3A_59 = arith.constant 512 : i32
      %mul3A_60 = arith.muli %scan3A_24, %mul3A_59 : i32
      %add3A_61 = vector.broadcast %mul3A_60 : i32 to vector<512x1xi32>
      %add3A_62 = arith.addi %broadcast_in_dim3A_55, %add3A_61 : vector<512x1xi32>
      %gt3A_63 = arith.cmpf ogt, %broadcast_in_dim3A_38, %scan3A_25 : vector<512x1xf32>
      %eq3A_64 = arith.cmpf oeq, %broadcast_in_dim3A_38, %scan3A_25 : vector<512x1xf32>
      %select_n3A_65 = arith.select %gt3A_63, %broadcast_in_dim3A_38, %scan3A_25 : vector<512x1xi1>, vector<512x1xf32>
      %select_n3A_66 = arith.select %gt3A_63, %add3A_49, %scan3A_26 : vector<512x1xi1>, vector<512x1xi32>
      %gt3A_67 = arith.constant 0 : i32
      %gt3A_68 = vector.broadcast %gt3A_67 : i32 to vector<512x1xi32>
      %gt3A_69 = arith.cmpi sgt, %convert_element_type3A_58, %gt3A_68 : vector<512x1xi32>
      %and3A_70 = arith.andi %eq3A_64, %gt3A_69 : vector<512x1xi1>
      %or3A = arith.ori %gt3A_63, %and3A_70 : vector<512x1xi1>
      %select_n3A_71 = arith.select %or3A, %add3A_62, %scan3A_27 : vector<512x1xi1>, vector<512x1xi32>
      %convert_element_type3A_72 = arith.extui %eq3A_64 : vector<512x1xi1> to vector<512x1xi32>
      %mul3A_73 = arith.muli %convert_element_type3A_72, %convert_element_type3A_58 : vector<512x1xi32>
      %max3A = arith.maxsi %scan3A_28, %mul3A_73 : vector<512x1xi32>
      %select_n3A_74 = arith.select %gt3A_63, %convert_element_type3A_58, %max3A : vector<512x1xi1>, vector<512x1xi32>
      scf.yield %select_n3A_65, %select_n3A_66, %select_n3A_71, %select_n3A_74 : vector<512x1xf32>, vector<512x1xi32>, vector<512x1xi32>, vector<512x1xi32>
    }
    %scan3A_16 = arith.constant 16 : i32
    %gt3A = arith.constant 0 : i32
    %gt3A_17 = vector.broadcast %gt3A : i32 to vector<512x1xi32>
    %gt3A_18 = arith.cmpi sgt, %scan3A_15#3, %gt3A_17 : vector<512x1xi32>
    %select_n3A = arith.select %gt3A_18, %scan3A_15#2, %scan3A_15#1 : vector<512x1xi1>, vector<512x1xi32>
    %squeeze3A = vector.shape_cast %select_n3A : vector<512x1xi32> to vector<512xi32>
    %broadcast_in_dim3A_19 = vector.shape_cast %squeeze3A : vector<512xi32> to vector<1x512xi32>
    %broadcast_in_dim3A_20 = vector.shape_cast %broadcast_in_dim3A_19 : vector<1x512xi32> to vector<1x512xi32>
    %broadcast_in_dim3A_21 = vector.broadcast %broadcast_in_dim3A_20 : vector<1x512xi32> to vector<8x512xi32>
    %swap3A = arith.constant 0 : index
    %swap3A_22 = arith.constant 0 : index
    %swap3A_23 = vector.load %arg5[%swap3A, %swap3A_22] : memref<8x512xi32, #tpu.memory_space<vmem>>, vector<8x512xi32>
    tpu.vector_store %arg5[%swap3A, %swap3A_22], %broadcast_in_dim3A_21 {strides = array<i32>} : memref<8x512xi32, #tpu.memory_space<vmem>>, vector<8x512xi32>,
    return
  }
  func.func @transform_0(%arg0: i32) -> (i32, i32) {
    %c0_i32 = arith.constant 0 : i32
    %c0_i32_0 = arith.constant 0 : i32
    return %arg0, %c0_i32 : i32, i32
  }
  func.func @transform_1(%arg0: i32) -> (i32, i32) {
    %c0_i32 = arith.constant 0 : i32
    %c0_i32_0 = arith.constant 0 : i32
    %c0_i32_1 = arith.constant 0 : i32
    return %c0_i32, %c0_i32_0 : i32, i32
  }
  func.func @transform_2(%arg0: i32) -> (i32, i32) {
    %c0_i32 = arith.constant 0 : i32
    %c0_i32_0 = arith.constant 0 : i32
    return %arg0, %c0_i32 : i32, i32
  }
  func.func @transform_3(%arg0: i32) -> (i32, i32) {
    %c0_i32 = arith.constant 0 : i32
    %c0_i32_0 = arith.constant 0 : i32
    return %arg0, %c0_i32 : i32, i32
  }
  func.func @transform_4(%arg0: i32) -> (i32, i32) {
    %c0_i32 = arith.constant 0 : i32
    %c0_i32_0 = arith.constant 0 : i32
    return %c0_i32, %arg0 : i32, i32
  }
  func.func @transform_5(%arg0: i32) -> (i32, i32) {
    %c0_i32 = arith.constant 0 : i32
    %c0_i32_0 = arith.constant 0 : i32
    %c0_i32_1 = arith.constant 0 : i32
    return %c0_i32, %c0_i32_0 : i32, i32
  }
}

module attributes {stable_mosaic.version = 14 : i64} {
  func.func @_argmax_kernel(%arg0: i32, %arg1: memref<512x32xf32, #tpu.memory_space<vmem>>, %arg2: memref<8192x32xf32, #tpu.memory_space<vmem>>, %arg3: memref<512x32xf32, #tpu.memory_space<vmem>>, %arg4: memref<512x128xf32, #tpu.memory_space<vmem>>, %arg5: memref<8x512xi32, #tpu.memory_space<vmem>>, %arg6: memref<8x128xf32, #tpu.memory_space<vmem>>) attributes {dimension_semantics = [#tpu.dimension_semantics<arbitrary>], iteration_bounds = array<i64: 32>, scalar_prefetch = 0 : i64, scratch_operands = 0 : i64, tpu.core_type = #tpu.core_type<tc>, window_params = [{transform_indices = @transform_0, window_bounds = array<i64: 512, 32>}, {pipeline_mode = #tpu.pipeline_mode<synchronous>, transform_indices = @transform_1, window_bounds = array<i64: 8192, 32>}, {transform_indices = @transform_2, window_bounds = array<i64: 512, 32>}, {transform_indices = @transform_3, window_bounds = array<i64: 512, 128>}, {transform_indices = @transform_4, window_bounds = array<i64: 8, 512>}, {pipeline_mode = #tpu.pipeline_mode<synchronous>, transform_indices = @transform_5, window_bounds = array<i64: 8, 128>}]} {
    %eq3A = arith.constant 0 : i32
    %eq3A_0 = arith.cmpi eq, %arg0, %eq3A : i32
    %convert_element_type3A = arith.extui %eq3A_0 : i1 to i32
    %cond3A = arith.constant 0 : i32
    %cond3A_1 = arith.cmpi ne, %convert_element_type3A, %cond3A : i32
    scf.if %cond3A_1 {
      %broadcast_in_dim3A_50 = arith.constant 0.000000e+00 : f32
      %broadcast_in_dim3A_51 = vector.broadcast %broadcast_in_dim3A_50 : f32 to vector<8x128xf32>
      %swap3A_52 = arith.constant 0 : index
      %swap3A_53 = arith.constant 0 : index
      %swap3A_54 = vector.load %arg6[%swap3A_52, %swap3A_53] : memref<8x128xf32, #tpu.memory_space<vmem>>, vector<8x128xf32>
      tpu.vector_store %arg6[%swap3A_52, %swap3A_53], %broadcast_in_dim3A_51 {strides = array<i32>} : memref<8x128xf32, #tpu.memory_space<vmem>>, vector<8x128xf32>,
    } else {
    }
    %get3A = arith.constant 0 : index
    %get3A_2 = arith.constant 0 : index
    %get3A_3 = vector.load %arg4[%get3A, %get3A_2] : memref<512x128xf32, #tpu.memory_space<vmem>>, vector<512x32xf32>
    %get3A_4 = arith.constant 0 : index
    %get3A_5 = arith.constant 0 : index
    %get3A_6 = vector.load %arg3[%get3A_4, %get3A_5] : memref<512x32xf32, #tpu.memory_space<vmem>>, vector<512x32xf32>
    %sub3A = arith.subf %get3A_3, %get3A_6 : vector<512x32xf32>
    %mul3A = arith.mulf %sub3A, %sub3A : vector<512x32xf32>
    %reduce_sum3A = vector.shape_cast %mul3A : vector<512x32xf32> to vector<1x512x32xf32>
    %reduce_sum3A_7 = arith.constant dense<0.000000e+00> : vector<1xf32>
    %reduce_sum3A_8 = vector.multi_reduction <add>, %reduce_sum3A, %reduce_sum3A_7 [1, 2] : vector<1x512x32xf32> to vector<1xf32>
    %reduce_sum3A_9 = vector.shape_cast %reduce_sum3A_8 : vector<1xf32> to vector<1x1x1xf32>
    %reduce_sum3A_10 = vector.extract %reduce_sum3A_9[0, 0, 0] : f32 from vector<1x1x1xf32>
    %iota3A = tpu.iota {dimensions = array<i32: 0>} : vector<8x128xi32>
    %eq3A_11 = arith.constant 0 : i32
    %eq3A_12 = vector.broadcast %eq3A_11 : i32 to vector<8x128xi32>
    %eq3A_13 = arith.cmpi eq, %iota3A, %eq3A_12 : vector<8x128xi32>
    %iota3A_14 = tpu.iota {dimensions = array<i32: 1>} : vector<8x128xi32>
    %eq3A_15 = arith.constant 0 : i32
    %eq3A_16 = vector.broadcast %eq3A_15 : i32 to vector<8x128xi32>
    %eq3A_17 = arith.cmpi eq, %iota3A_14, %eq3A_16 : vector<8x128xi32>
    %and3A = arith.andi %eq3A_13, %eq3A_17 : vector<8x128xi1>
    %get3A_18 = arith.constant 0 : index
    %get3A_19 = arith.constant 0 : index
    %get3A_20 = vector.load %arg6[%get3A_18, %get3A_19] : memref<8x128xf32, #tpu.memory_space<vmem>>, vector<8x128xf32>
    %jit3A = arith.constant 0.000000e+00 : f32
    %broadcast_in_dim3A = vector.broadcast %reduce_sum3A_10 : f32 to vector<8x128xf32>
    %broadcast_in_dim3A_21 = vector.broadcast %jit3A : f32 to vector<8x128xf32>
    %select_n3A = arith.select %and3A, %broadcast_in_dim3A, %broadcast_in_dim3A_21 : vector<8x128xi1>, vector<8x128xf32>
    %add3A = arith.addf %get3A_20, %select_n3A : vector<8x128xf32>
    %swap3A = arith.constant 0 : index
    %swap3A_22 = arith.constant 0 : index
    %swap3A_23 = vector.load %arg6[%swap3A, %swap3A_22] : memref<8x128xf32, #tpu.memory_space<vmem>>, vector<8x128xf32>
    tpu.vector_store %arg6[%swap3A, %swap3A_22], %add3A {strides = array<i32>} : memref<8x128xf32, #tpu.memory_space<vmem>>, vector<8x128xf32>,
    %get3A_24 = arith.constant 0 : index
    %get3A_25 = arith.constant 0 : index
    %get3A_26 = vector.load %arg1[%get3A_24, %get3A_25] : memref<512x32xf32, #tpu.memory_space<vmem>>, vector<512x32xf32>
    %convert_element_type3A_27 = arith.truncf %get3A_26 : vector<512x32xf32> to vector<512x32xbf16>
    %broadcast_in_dim3A_28 = arith.constant 0xFF800000 : f32
    %broadcast_in_dim3A_29 = vector.broadcast %broadcast_in_dim3A_28 : f32 to vector<512x1xf32>
    %broadcast_in_dim3A_30 = arith.constant 0 : i32
    %broadcast_in_dim3A_31 = vector.broadcast %broadcast_in_dim3A_30 : i32 to vector<512x1xi32>
    %broadcast_in_dim3A_32 = arith.constant 0 : i32
    %broadcast_in_dim3A_33 = vector.broadcast %broadcast_in_dim3A_32 : i32 to vector<512x1xi32>
    %broadcast_in_dim3A_34 = arith.constant 0 : i32
    %broadcast_in_dim3A_35 = vector.broadcast %broadcast_in_dim3A_34 : i32 to vector<512x1xi32>
    %scan3A = arith.constant 0 : i32
    %scan3A_36 = arith.constant 16 : i32
    %scan3A_37 = arith.addi %scan3A, %scan3A_36 : i32
    %scan3A_38 = arith.constant 1 : i32
    %scan3A_39:4 = scf.for %scan3A_50 = %scan3A to %scan3A_37 step %scan3A_38 iter_args(%scan3A_51 = %broadcast_in_dim3A_29, %scan3A_52 = %broadcast_in_dim3A_31, %scan3A_53 = %broadcast_in_dim3A_33, %scan3A_54 = %broadcast_in_dim3A_35) -> (vector<512x1xf32>, vector<512x1xi32>, vector<512x1xi32>, vector<512x1xi32>)  : i32 {
      %mul3A_55 = arith.constant 512 : i32
      %mul3A_56 = arith.muli %scan3A_50, %mul3A_55 : i32
      %get3A_57 = arith.index_cast %mul3A_56 : i32 to index
      %get3A_58 = arith.constant 0 : index
      %get3A_59 = vector.load %arg2[%get3A_57, %get3A_58] : memref<8192x32xf32, #tpu.memory_space<vmem>>, vector<512x32xf32>
      %convert_element_type3A_60 = arith.truncf %get3A_59 : vector<512x32xf32> to vector<512x32xbf16>
      %dot_general3A = arith.constant dense<0.000000e+00> : vector<512x512xf32>
      %dot_general3A_61 = tpu.matmul %convert_element_type3A_27, %convert_element_type3A_60, %dot_general3A {dimension_numbers = #tpu.dot_dimension_numbers<[1], [1], [0], [0], [0, 0, 1, 0], [], []>, transpose_lhs_hint = false} : vector<512x32xbf16>, vector<512x32xbf16>, vector<512x512xf32> -> vector<512x512xf32>
      %convert_element_type3A_62 = arith.truncf %dot_general3A_61 : vector<512x512xf32> to vector<512x512xbf16>
      %convert_element_type3A_63 = arith.extf %convert_element_type3A_62 : vector<512x512xbf16> to vector<512x512xf32>
      %reduce_max3A = arith.constant dense<0xFF800000> : vector<512xf32>
      %reduce_max3A_64 = vector.multi_reduction <maximumf>, %convert_element_type3A_63, %reduce_max3A [1] : vector<512x512xf32> to vector<512xf32>
      %broadcast_in_dim3A_65 = vector.shape_cast %reduce_max3A_64 : vector<512xf32> to vector<512x1xf32>
      %iota3A_66 = tpu.iota {dimensions = array<i32: 1>} : vector<512x512xi32>
      %eq3A_67 = vector.broadcast %broadcast_in_dim3A_65 : vector<512x1xf32> to vector<512x512xf32>
      %eq3A_68 = arith.cmpf oeq, %convert_element_type3A_63, %eq3A_67 : vector<512x512xf32>
      %gt3A_69 = vector.broadcast %broadcast_in_dim3A_65 : vector<512x1xf32> to vector<512x512xf32>
      %gt3A_70 = arith.cmpf ogt, %dot_general3A_61, %gt3A_69 : vector<512x512xf32>
      %and3A_71 = arith.andi %eq3A_68, %gt3A_70 : vector<512x512xi1>
      %jit3A_72 = arith.constant 512 : i32
      %broadcast_in_dim3A_73 = vector.broadcast %jit3A_72 : i32 to vector<512x512xi32>
      %select_n3A_74 = arith.select %eq3A_68, %iota3A_66, %broadcast_in_dim3A_73 : vector<512x512xi1>, vector<512x512xi32>
      %reduce_min3A = arith.constant dense<2147483647> : vector<512xi32>
      %reduce_min3A_75 = vector.multi_reduction <minsi>, %select_n3A_74, %reduce_min3A [1] : vector<512x512xi32> to vector<512xi32>
      %broadcast_in_dim3A_76 = vector.shape_cast %reduce_min3A_75 : vector<512xi32> to vector<512x1xi32>
      %mul3A_77 = arith.constant 512 : i32
      %mul3A_78 = arith.muli %scan3A_50, %mul3A_77 : i32
      %add3A_79 = vector.broadcast %mul3A_78 : i32 to vector<512x1xi32>
      %add3A_80 = arith.addi %broadcast_in_dim3A_76, %add3A_79 : vector<512x1xi32>
      %jit3A_81 = arith.constant -1 : i32
      %broadcast_in_dim3A_82 = vector.broadcast %jit3A_81 : i32 to vector<512x512xi32>
      %select_n3A_83 = arith.select %and3A_71, %iota3A_66, %broadcast_in_dim3A_82 : vector<512x512xi1>, vector<512x512xi32>
      %reduce_max3A_84 = arith.constant dense<-2147483648> : vector<512xi32>
      %reduce_max3A_85 = vector.multi_reduction <maxsi>, %select_n3A_83, %reduce_max3A_84 [1] : vector<512x512xi32> to vector<512xi32>
      %broadcast_in_dim3A_86 = vector.shape_cast %reduce_max3A_85 : vector<512xi32> to vector<512x1xi32>
      %ge3A = arith.constant 0 : i32
      %ge3A_87 = vector.broadcast %ge3A : i32 to vector<512x1xi32>
      %ge3A_88 = arith.cmpi sge, %broadcast_in_dim3A_86, %ge3A_87 : vector<512x1xi32>
      %convert_element_type3A_89 = arith.extui %ge3A_88 : vector<512x1xi1> to vector<512x1xi32>
      %mul3A_90 = arith.constant 512 : i32
      %mul3A_91 = arith.muli %scan3A_50, %mul3A_90 : i32
      %add3A_92 = vector.broadcast %mul3A_91 : i32 to vector<512x1xi32>
      %add3A_93 = arith.addi %broadcast_in_dim3A_86, %add3A_92 : vector<512x1xi32>
      %gt3A_94 = arith.cmpf ogt, %broadcast_in_dim3A_65, %scan3A_51 : vector<512x1xf32>
      %eq3A_95 = arith.cmpf oeq, %broadcast_in_dim3A_65, %scan3A_51 : vector<512x1xf32>
      %select_n3A_96 = arith.select %gt3A_94, %broadcast_in_dim3A_65, %scan3A_51 : vector<512x1xi1>, vector<512x1xf32>
      %select_n3A_97 = arith.select %gt3A_94, %add3A_80, %scan3A_52 : vector<512x1xi1>, vector<512x1xi32>
      %gt3A_98 = arith.constant 0 : i32
      %gt3A_99 = vector.broadcast %gt3A_98 : i32 to vector<512x1xi32>
      %gt3A_100 = arith.cmpi sgt, %convert_element_type3A_89, %gt3A_99 : vector<512x1xi32>
      %and3A_101 = arith.andi %eq3A_95, %gt3A_100 : vector<512x1xi1>
      %or3A = arith.ori %gt3A_94, %and3A_101 : vector<512x1xi1>
      %select_n3A_102 = arith.select %or3A, %add3A_93, %scan3A_53 : vector<512x1xi1>, vector<512x1xi32>
      %convert_element_type3A_103 = arith.extui %eq3A_95 : vector<512x1xi1> to vector<512x1xi32>
      %mul3A_104 = arith.muli %convert_element_type3A_103, %convert_element_type3A_89 : vector<512x1xi32>
      %max3A = arith.maxsi %scan3A_54, %mul3A_104 : vector<512x1xi32>
      %select_n3A_105 = arith.select %gt3A_94, %convert_element_type3A_89, %max3A : vector<512x1xi1>, vector<512x1xi32>
      scf.yield %select_n3A_96, %select_n3A_97, %select_n3A_102, %select_n3A_105 : vector<512x1xf32>, vector<512x1xi32>, vector<512x1xi32>, vector<512x1xi32>
    }
    %scan3A_40 = arith.constant 16 : i32
    %gt3A = arith.constant 0 : i32
    %gt3A_41 = vector.broadcast %gt3A : i32 to vector<512x1xi32>
    %gt3A_42 = arith.cmpi sgt, %scan3A_39#3, %gt3A_41 : vector<512x1xi32>
    %select_n3A_43 = arith.select %gt3A_42, %scan3A_39#2, %scan3A_39#1 : vector<512x1xi1>, vector<512x1xi32>
    %squeeze3A = vector.shape_cast %select_n3A_43 : vector<512x1xi32> to vector<512xi32>
    %broadcast_in_dim3A_44 = vector.shape_cast %squeeze3A : vector<512xi32> to vector<1x512xi32>
    %broadcast_in_dim3A_45 = vector.shape_cast %broadcast_in_dim3A_44 : vector<1x512xi32> to vector<1x512xi32>
    %broadcast_in_dim3A_46 = vector.broadcast %broadcast_in_dim3A_45 : vector<1x512xi32> to vector<8x512xi32>
    %swap3A_47 = arith.constant 0 : index
    %swap3A_48 = arith.constant 0 : index
    %swap3A_49 = vector.load %arg5[%swap3A_47, %swap3A_48] : memref<8x512xi32, #tpu.memory_space<vmem>>, vector<8x512xi32>
    tpu.vector_store %arg5[%swap3A_47, %swap3A_48], %broadcast_in_dim3A_46 {strides = array<i32>} : memref<8x512xi32, #tpu.memory_space<vmem>>, vector<8x512xi32>,
    return
  }
  func.func @transform_0(%arg0: i32) -> (i32, i32) {
    %c0_i32 = arith.constant 0 : i32
    %c0_i32_0 = arith.constant 0 : i32
    return %arg0, %c0_i32 : i32, i32
  }
  func.func @transform_1(%arg0: i32) -> (i32, i32) {
    %c0_i32 = arith.constant 0 : i32
    %c0_i32_0 = arith.constant 0 : i32
    %c0_i32_1 = arith.constant 0 : i32
    return %c0_i32, %c0_i32_0 : i32, i32
  }
  func.func @transform_2(%arg0: i32) -> (i32, i32) {
    %c0_i32 = arith.constant 0 : i32
    %c0_i32_0 = arith.constant 0 : i32
    return %arg0, %c0_i32 : i32, i32
  }
  func.func @transform_3(%arg0: i32) -> (i32, i32) {
    %c0_i32 = arith.constant 0 : i32
    %c0_i32_0 = arith.constant 0 : i32
    return %arg0, %c0_i32 : i32, i32
  }
  func.func @transform_4(%arg0: i32) -> (i32, i32) {
    %c0_i32 = arith.constant 0 : i32
    %c0_i32_0 = arith.constant 0 : i32
    return %c0_i32, %arg0 : i32, i32
  }
  func.func @transform_5(%arg0: i32) -> (i32, i32) {
    %c0_i32 = arith.constant 0 : i32
    %c0_i32_0 = arith.constant 0 : i32
    %c0_i32_1 = arith.constant 0 : i32
    return %c0_i32, %c0_i32_0 : i32, i32
  }
}

module attributes {stable_mosaic.version = 14 : i64} {
  func.func @_epilogue_kernel(%arg0: i32, %arg1: memref<512x32xf32, #tpu.memory_space<vmem>>, %arg2: memref<512x32xf32, #tpu.memory_space<vmem>>, %arg3: memref<512x128xf32, #tpu.memory_space<vmem>>, %arg4: memref<512x32xf32, #tpu.memory_space<vmem>>, %arg5: memref<8x128xf32, #tpu.memory_space<vmem>>) attributes {dimension_semantics = [#tpu.dimension_semantics<arbitrary>], iteration_bounds = array<i64: 32>, scalar_prefetch = 0 : i64, scratch_operands = 0 : i64, tpu.core_type = #tpu.core_type<tc>, window_params = [{transform_indices = @transform_0, window_bounds = array<i64: 512, 32>}, {transform_indices = @transform_1, window_bounds = array<i64: 512, 32>}, {transform_indices = @transform_2, window_bounds = array<i64: 512, 128>}, {transform_indices = @transform_3, window_bounds = array<i64: 512, 32>}, {pipeline_mode = #tpu.pipeline_mode<synchronous>, transform_indices = @transform_4, window_bounds = array<i64: 8, 128>}]} {
    %eq3A = arith.constant 0 : i32
    %eq3A_0 = arith.cmpi eq, %arg0, %eq3A : i32
    %convert_element_type3A = arith.extui %eq3A_0 : i1 to i32
    %cond3A = arith.constant 0 : i32
    %cond3A_1 = arith.cmpi ne, %convert_element_type3A, %cond3A : i32
    scf.if %cond3A_1 {
      %broadcast_in_dim3A_32 = arith.constant 0.000000e+00 : f32
      %broadcast_in_dim3A_33 = vector.broadcast %broadcast_in_dim3A_32 : f32 to vector<8x128xf32>
      %swap3A_34 = arith.constant 0 : index
      %swap3A_35 = arith.constant 0 : index
      %swap3A_36 = vector.load %arg5[%swap3A_34, %swap3A_35] : memref<8x128xf32, #tpu.memory_space<vmem>>, vector<8x128xf32>
      tpu.vector_store %arg5[%swap3A_34, %swap3A_35], %broadcast_in_dim3A_33 {strides = array<i32>} : memref<8x128xf32, #tpu.memory_space<vmem>>, vector<8x128xf32>,
    } else {
    }
    %get3A = arith.constant 0 : index
    %get3A_2 = arith.constant 0 : index
    %get3A_3 = vector.load %arg1[%get3A, %get3A_2] : memref<512x32xf32, #tpu.memory_space<vmem>>, vector<512x32xf32>
    %get3A_4 = arith.constant 0 : index
    %get3A_5 = arith.constant 0 : index
    %get3A_6 = vector.load %arg2[%get3A_4, %get3A_5] : memref<512x32xf32, #tpu.memory_space<vmem>>, vector<512x32xf32>
    %get3A_7 = arith.constant 0 : index
    %get3A_8 = arith.constant 0 : index
    %get3A_9 = vector.load %arg3[%get3A_7, %get3A_8] : memref<512x128xf32, #tpu.memory_space<vmem>>, vector<512x32xf32>
    %sub3A = arith.subf %get3A_6, %get3A_9 : vector<512x32xf32>
    %sub3A_10 = arith.subf %get3A_3, %sub3A : vector<512x32xf32>
    %swap3A = arith.constant 0 : index
    %swap3A_11 = arith.constant 0 : index
    %swap3A_12 = vector.load %arg4[%swap3A, %swap3A_11] : memref<512x32xf32, #tpu.memory_space<vmem>>, vector<512x32xf32>
    tpu.vector_store %arg4[%swap3A, %swap3A_11], %sub3A_10 {strides = array<i32>} : memref<512x32xf32, #tpu.memory_space<vmem>>, vector<512x32xf32>,
    %sub3A_13 = arith.subf %get3A_9, %get3A_6 : vector<512x32xf32>
    %mul3A = arith.mulf %sub3A_13, %sub3A_13 : vector<512x32xf32>
    %reduce_sum3A = vector.shape_cast %mul3A : vector<512x32xf32> to vector<1x512x32xf32>
    %reduce_sum3A_14 = arith.constant dense<0.000000e+00> : vector<1xf32>
    %reduce_sum3A_15 = vector.multi_reduction <add>, %reduce_sum3A, %reduce_sum3A_14 [1, 2] : vector<1x512x32xf32> to vector<1xf32>
    %reduce_sum3A_16 = vector.shape_cast %reduce_sum3A_15 : vector<1xf32> to vector<1x1x1xf32>
    %reduce_sum3A_17 = vector.extract %reduce_sum3A_16[0, 0, 0] : f32 from vector<1x1x1xf32>
    %iota3A = tpu.iota {dimensions = array<i32: 0>} : vector<8x128xi32>
    %eq3A_18 = arith.constant 0 : i32
    %eq3A_19 = vector.broadcast %eq3A_18 : i32 to vector<8x128xi32>
    %eq3A_20 = arith.cmpi eq, %iota3A, %eq3A_19 : vector<8x128xi32>
    %iota3A_21 = tpu.iota {dimensions = array<i32: 1>} : vector<8x128xi32>
    %eq3A_22 = arith.constant 0 : i32
    %eq3A_23 = vector.broadcast %eq3A_22 : i32 to vector<8x128xi32>
    %eq3A_24 = arith.cmpi eq, %iota3A_21, %eq3A_23 : vector<8x128xi32>
    %and3A = arith.andi %eq3A_20, %eq3A_24 : vector<8x128xi1>
    %get3A_25 = arith.constant 0 : index
    %get3A_26 = arith.constant 0 : index
    %get3A_27 = vector.load %arg5[%get3A_25, %get3A_26] : memref<8x128xf32, #tpu.memory_space<vmem>>, vector<8x128xf32>
    %jit3A = arith.constant 0.000000e+00 : f32
    %broadcast_in_dim3A = vector.broadcast %reduce_sum3A_17 : f32 to vector<8x128xf32>
    %broadcast_in_dim3A_28 = vector.broadcast %jit3A : f32 to vector<8x128xf32>
    %select_n3A = arith.select %and3A, %broadcast_in_dim3A, %broadcast_in_dim3A_28 : vector<8x128xi1>, vector<8x128xf32>
    %add3A = arith.addf %get3A_27, %select_n3A : vector<8x128xf32>
    %swap3A_29 = arith.constant 0 : index
    %swap3A_30 = arith.constant 0 : index
    %swap3A_31 = vector.load %arg5[%swap3A_29, %swap3A_30] : memref<8x128xf32, #tpu.memory_space<vmem>>, vector<8x128xf32>
    tpu.vector_store %arg5[%swap3A_29, %swap3A_30], %add3A {strides = array<i32>} : memref<8x128xf32, #tpu.memory_space<vmem>>, vector<8x128xf32>,
    return
  }
  func.func @transform_0(%arg0: i32) -> (i32, i32) {
    %c0_i32 = arith.constant 0 : i32
    %c0_i32_0 = arith.constant 0 : i32
    return %arg0, %c0_i32 : i32, i32
  }
  func.func @transform_1(%arg0: i32) -> (i32, i32) {
    %c0_i32 = arith.constant 0 : i32
    %c0_i32_0 = arith.constant 0 : i32
    return %arg0, %c0_i32 : i32, i32
  }
  func.func @transform_2(%arg0: i32) -> (i32, i32) {
    %c0_i32 = arith.constant 0 : i32
    %c0_i32_0 = arith.constant 0 : i32
    return %arg0, %c0_i32 : i32, i32
  }
  func.func @transform_3(%arg0: i32) -> (i32, i32) {
    %c0_i32 = arith.constant 0 : i32
    %c0_i32_0 = arith.constant 0 : i32
    return %arg0, %c0_i32 : i32, i32
  }
  func.func @transform_4(%arg0: i32) -> (i32, i32) {
    %c0_i32 = arith.constant 0 : i32
    %c0_i32_0 = arith.constant 0 : i32
    %c0_i32_1 = arith.constant 0 : i32
    return %c0_i32, %c0_i32_0 : i32, i32
  }
}

</mosaic_0001>

<sc_bundles>
// kernel: kernel.11.cloned.1.call-start
scs
__scs_entry_jumppad:
0x0: {  	(pc) =	sbr.rel $0x88, $3  }
0x1: {  	(tag) =	ssettag $0x0;
	lr =	simm.s32 $0x1  }
0x2: {  	[smem:$0x3F9F] =	sst lr;
	_ =	strace $0xD0000000  }
0x3: {  	_ = 	snop  }
0x4: {  	_ = 	snop  }
0x5: {  	_ = 	snop  }
0x6: {  	_ = 	snop  }
0x7: {  	_ = 	snop  }
__scs_overlays_trampoline_lowered:
0x8: {  	[smem:$0x3FAE] =	sst s0  }
0x9: {  	[smem:$0x3FAF] =	sst s1  }
0xa: {  	[smem:$0x3FB0] =	sst s2  }
0xb: {  	[smem:$0x3FB1] =	sst s3  }
0xc: {  	[smem:$0x3FB2] =	sst s4  }
0xd: {  	[smem:$0x3FB3] =	sst s5  }
0xe: {  	[smem:$0x3FB4] =	sst s6  }
0xf: {  	[smem:$0x3FB5] =	sst s7  }
0x10: {  	[smem:$0x3FB6] =	sst s8  }
0x11: {  	[smem:$0x3FB7] =	sst s9;
	s0 =	simm.s32 @!p0 $0x0  }
0x12: {  	s1 =	sld [smem:$0x3F9D];
	s0 =	simm.s32 @p0 $0x1  }
0x13: {  	[smem:$0x3FB8] =	sst s0;
	s0 =	simm.s32 @!p1 $0x0  }
0x14: {  	s2 =	sld [smem:$0x3F9C];
	s0 =	simm.s32 @p1 $0x1  }
0x15: {  	[smem:$0x3FB9] =	sst s0;
	s0 =	simm.s32 @!p2 $0x0  }
0x16: {  	s3 =	sld [smem:$0x3FDB];
	s0 =	simm.s32 @p2 $0x1  }
0x17: {  	s4 =	simm.s32 $0x1BF5;
	[smem:$0x3FBB] =	sst s0  }
0x18: {  	s0 =	sld [smem:$0x3F9E];
	_ =	swait.ge [sflag:s4], $0x0  }
0x19: {  	s7 =	sld [smem:$0x3F9F]  }
0x1a: {  	s8 =	sadd.s32 $0xFFFFE003, lr  }
0x1b: {  	s9 =	sadd.s32 $0xFFFFFEF7, lr;
	s5 =	simm.s32 $0xFFFFFFFF;
	p2 =	slt.u32 s8, $0xFFFFF086  }
0x1c: {  	p1 =	slt.u32 s9, $0xF7A;
	s5 =	simm.s32 @!p2 $0x0  }
0x1d: {  	s5 =	simm.s32 @p1 $0x1;
	p0 =	seq.s32 s7, s2  }
0x1e: {  	s7 =	smul.u32 @!p0 $0xF7A, s2;
	p2 =	seq.s32 @!p0 s5, $0x0  }
0x1f: {  	s9 =	smul.u32 $0xF7A, s1;
	s8 =	simm.s32 @!p0 $0x1BF5;
	p2 =	por !p2, p0  }
0x20: {  	[sflag:s8] =	ssyncset.s32 @!p0 $0xFFFFF086;
	s6 =	sadd.s32 @!p0 s3, s7;
	s7 =	simm.s32 @!p0 $0x108  }
0x21: {  	s3 =	sadd.s32 s3, s9;
	s6 =	sadd.s32 @!p0 $0x88, s6;
	s7 =	simm.s32 @p2 $0x1082  }
0x22: {  	[simem:s7], [sflag:s8] =	dma.local @!p0 [hbm:s6], $0xF7A  }
0x23: {  	s9 =	sor.u32 $0xD0000000, s2;
	s6 =	simm.s32 $0x108;
	_ =	swait.ge @!p0 [sflag:s8], $0x0  }
0x24: {  	s3 =	sadd.s32 $0x88, s3;
	s6 =	simm.s32 @!p1 $0x1082;
	[sflag:s4] =	ssyncset.s32 $0xFFFFF086  }
0x25: {  	[simem:s6], [sflag:s4] =	dma.local [hbm:s3], $0xF7A  }
0x26: {  	[smem:$0x3F9F] =	sst s1;
	(tag) =	ssettag s2;
	_ =	strace s9  }
0x27: {  	s1 =	sld [smem:$0x3FAF]  }
0x28: {  	s2 =	sld [smem:$0x3FB0]  }
0x29: {  	s4 =	sld [smem:$0x3FB2]  }
0x2a: {  	p0 =	seq.s32 s5, $0x0;
	s5 =	sld [smem:$0x3FB3]  }
0x2b: {  	s6 =	sld [smem:$0x3FB4]  }
0x2c: {  	s7 =	sld [smem:$0x3FB5]  }
0x2d: {  	s3 =	simm.s32 $0x108;
	s8 =	sld [smem:$0x3FB6]  }
0x2e: {  	s3 =	simm.s32 @!p0 $0x1082;
	s9 =	sld [smem:$0x3FB7]  }
0x2f: {  	lr =	sadd.s32 s0, s3;
	s0 =	sld [smem:$0x3FAE]  }
0x30: {  	s3 =	sld [smem:$0x3FB1]  }
0x31: {  	[smem:$0x3FBA] =	sst s10  }
0x32: {  	s10 =	sld [smem:$0x3FB8];
	_ =	sdelay $0x3  }
0x33: {  	p0 =	seq.s32 s10, $0x1;
	s10 =	sld [smem:$0x3FBA];
	_ =	sdelay $0x3  }
0x34: {  	[smem:$0x3FBA] =	sst s10  }
0x35: {  	s10 =	sld [smem:$0x3FB9];
	_ =	sdelay $0x3  }
0x36: {  	p1 =	seq.s32 s10, $0x1;
	s10 =	sld [smem:$0x3FBA];
	_ =	sdelay $0x3  }
0x37: {  	[smem:$0x3FBA] =	sst s10  }
0x38: {  	s10 =	sld [smem:$0x3FBB]  }
0x39: {  	_ = 	snop;
	(pc) =	sbr.ind lr, $3  }
0x3a: {  	_ = 	snop  }
0x3b: {  	_ = 	snop  }
0x3c: {  	p2 =	seq.s32 s10, $0x1;
	s10 =	sld [smem:$0x3FBA]  }
0x3d: {  	_ =	shalt  }
0x3e: {  	_ =	shalt  }
0x3f: {  	_ =	shalt  }
0x40: {  	_ =	shalt  }
0x41: {  	_ =	shalt  }
0x42: {  	_ =	shalt  }
0x43: {  	_ =	shalt  }
0x44: {  	_ =	shalt  }
0x45: {  	_ =	shalt  }
0x46: {  	_ =	shalt  }
0x47: {  	_ =	shalt  }
0x48: {  	_ =	shalt  }
0x49: {  	_ =	shalt  }
0x4a: {  	_ =	shalt  }
0x4b: {  	_ =	shalt  }
0x4c: {  	_ =	shalt  }
0x4d: {  	_ =	shalt  }
0x4e: {  	_ =	shalt  }
0x4f: {  	_ =	shalt  }
0x50: {  	_ =	shalt  }
0x51: {  	_ =	shalt  }
0x52: {  	_ =	shalt  }
0x53: {  	_ =	shalt  }
0x54: {  	_ =	shalt  }
0x55: {  	_ =	shalt  }
0x56: {  	_ =	shalt  }
0x57: {  	_ =	shalt  }
0x58: {  	_ =	shalt  }
0x59: {  	_ =	shalt  }
0x5a: {  	_ =	shalt  }
0x5b: {  	_ =	shalt  }
0x5c: {  	_ =	shalt  }
0x5d: {  	_ =	shalt  }
0x5e: {  	_ =	shalt  }
0x5f: {  	_ =	shalt  }
0x60: {  	_ =	shalt  }
0x61: {  	_ =	shalt  }
0x62: {  	_ =	shalt  }
0x63: {  	_ =	shalt  }
0x64: {  	_ =	shalt  }
0x65: {  	_ =	shalt  }
0x66: {  	_ =	shalt  }
0x67: {  	_ =	shalt  }
0x68: {  	_ =	shalt  }
0x69: {  	_ =	shalt  }
0x6a: {  	_ =	shalt  }
0x6b: {  	_ =	shalt  }
0x6c: {  	_ =	shalt  }
0x6d: {  	_ =	shalt  }
0x6e: {  	_ =	shalt  }
0x6f: {  	_ =	shalt  }
0x70: {  	_ =	shalt  }
0x71: {  	_ =	shalt  }
0x72: {  	_ =	shalt  }
0x73: {  	_ =	shalt  }
0x74: {  	_ =	shalt  }
0x75: {  	_ =	shalt  }
0x76: {  	_ =	shalt  }
0x77: {  	_ =	shalt  }
0x78: {  	_ =	shalt  }
0x79: {  	_ =	shalt  }
0x7a: {  	_ =	shalt  }
0x7b: {  	_ =	shalt  }
0x7c: {  	_ =	shalt  }
0x7d: {  	_ =	shalt  }
0x7e: {  	_ =	shalt  }
0x7f: {  	_ =	shalt  }
0x80: {  	_ =	shalt  }
0x81: {  	_ =	shalt  }
0x82: {  	_ =	shalt  }
0x83: {  	_ =	shalt  }
0x84: {  	_ =	shalt  }
0x85: {  	_ =	shalt  }
0x86: {  	_ =	shalt  }
0x87: {  	_ =	shalt  }
.Lfunc_end0:
.L_simem_size_0:
called_computation_lowered:
.L_overlay_start_0:
0x88: {  	s2 =	sld [smem:$0x3FD9]  }
0x89: {  	s3 =	sld [smem:$0x3FFE];
	_ =	sdelay $0x1  }
0x8a: {  	s1 =	srdreg.scid  }
0x8b: {  	s0 =	sand.u32 $0x1, s1  }
0x8c: {  	s14 =	sshll.u32 s0, $0xA;
	s2 =	sadd.s32 s3, s2  }
0x8d: {  	s2 =	sadd.s32 s2, s14  }
0x8e: {  	[smem:$0x3FC6] =	sst s2  }
0x8f: {  	_ = 	snop  }
0x90: {  	s2 =	sld [smem:$0x3FD0];
	_ =	sdelay $0x2  }
0x91: {  	s15 =	simm.s32 $0xA;
	s4 =	simm.s32 $0x10  }
0x92: {  	[smem:s4], [sflag:s15] =	dma.local [hbm:s2], $0x1  }
0x93: {  	_ =	swait.eq [sflag:s15], $0x1  }
0x94: {  	[sflag:s15] =	ssyncset.done $0x0  }
0x95: {  	[sflag:s15] =	ssyncadd.s32 $0xFFFFFFFF  }
0x96: {  	s16 =	sld [smem:$0x11];
	(tm) =	ssettm $0x1  }
0x97: {  	s17 =	sld [smem:$0x3FFB];
	_ =	sdelay $0x3  }
0x98: {  	_ =	strace s17  }
0x99: {  	s3 =	sld [smem:$0x3FFC];
	_ =	sdelay $0x3  }
0x9a: {  	_ =	strace s3  }
0x9b: {  	s3 =	sld [smem:$0x3FFD];
	_ =	sdelay $0x3  }
0x9c: {  	_ =	strace s3  }
0x9d: {  	_ =	strace $0x8FFFFFFF  }
0x9e: {  	s18 =	sld [smem:$0x3FDB];
	_ =	sdelay $0x1  }
0x9f: {  	s19 =	simm.s32 $_scs_section_size  }
0xa0: {  	s5 =	simm.s32 $_size__tile_overlayer_lowered;
	s6 =	simm.s32 $_tile_overlayer_lowered  }
0xa1: {  	s22 =	simm.s32 $0x1BFF;
	s21 =	sshll.u32 s6, $0x1;
	s3 =	sadd.s32 s19, s18  }
0xa2: {  	s7 =	simm.s32 $0x0;
	s20 =	sshll.u32 s5, $0x1;
	s5 =	sadd.s32 s21, s3  }
0xa3: {  	[timem:s7], [sflag:s22] =	dma.local [hbm:s5], s20  }
0xa4: {  	_ =	swait.ge [sflag:s22], s20  }
0xa5: {  	s4 =	ssub.s32 $0x0, s20;
	[sflag:s22] =	ssyncset.done $0x0  }
0xa6: {  	[sflag:s22] =	ssyncadd.s32 s4;
	_ =	sdelay $0x1  }
0xa7: {  	s23 =	simm.s32 $0x1B8B  }
0xa8: {  	_ =	swait.ge [sflag:s23], $0x1  }
0xa9: {  	[sflag:s23] =	ssyncset.done $0x0  }
0xaa: {  	s25 =	simm.s32 $0x1B8E;
	s24 =	sld [smem:$0x3FFE];
	[sflag:s23] =	ssyncadd.s32 $0xFFFFFFFF  }
0xab: {  	s26 =	simm.s32 $execute0_lowered;
	[smem:$0x3FD2] =	sst s25  }
0xac: {  	s5 =	sshll.u32 s26, $0x1;
	_ =	strace $0x80000046;
	[dreg:$0x1] =	wrdreg $0xFFFFFFFF  }
0xad: {  	s28 =	simm.s32 $_size_execute0_lowered;
	s3 =	sadd.s32 s3, s5;
	[dreg:$0x0] =	wrdreg $0x0  }
0xae: {  	s5 =	sshll.u32 s28, $0x1;
	[dreg:$0x2] =	wrdreg s3  }
0xaf: {  	[dreg:$0x3] =	wrdreg s5  }
0xb0: {  	[dreg:$0x4] =	wrdreg $0xC0  }
0xb1: {  	_ =	task [dreg:s7], $0x5FFFF  }
0xb2: {  	[dreg:$0x1] =	wrdreg $0xFFFFFFFF  }
0xb3: {  	[dreg:$0x0] =	wrdreg $0x60  }
0xb4: {  	[dreg:$0x2] =	wrdreg s24  }
0xb5: {  	[dreg:$0x3] =	wrdreg s16  }
0xb6: {  	[dreg:$0x4] =	wrdreg $0x9  }
0xb7: {  	_ =	task.clear_ibuf [dreg:s7], $0x5FFFF;
	_ =	strace $0x90000046  }
0xb8: {  	s29 =	simm.s32 $0x9;
	_ =	strace $0x80000048  }
0xb9: {  	_ =	swait.ge [sflag:s29], $0x1  }
0xba: {  	[sflag:s29] =	ssyncadd.s32 $0xFFFFFFFF  }
0xbb: {  	_ =	strace $0x90000048  }
0xbc: {  	_ =	sfence  }
0xbd: {  	s30 =	sld [smem:$0x0];
	_ =	sdelay $0x2  }
0xbe: {  	s31 =	sshll.u32 s1, $0xD;
	s1 =	sshrl.u32 s1, $0x2  }
0xbf: {  	s3 =	sand.u32 $0x4000, s31;
	s1 =	sadd.s32 s1, s30  }
0xc0: {  	s0 =	sor.u32 s3, s0;
	s1 =	sshll.u32 s1, $0x11  }
0xc1: {  	s0 =	sor.u32 s1, s0  }
0xc2: {  	s0 =	sadd.s32 $0x8F2B, s0  }
0xc3: {  	[sflag:s0] =	ssyncadd.remote.s32 $0x1  }
0xc4: {  	_ =	sfence.sel $0xFFFF  }
0xc5: {  	[dreg:$0x0] =	wrdreg $0xFFFFFFFF;
	(pc) =	sbr.abs _section_cstart, $3  }
0xc6: {  	[dreg:$0x1] =	wrdreg $0xFFFFFFFF  }
0xc7: {  	_ =	task.clear_ibuf [dreg:s7], $0x2FFFF;
	_ =	strace $0x9FFFFFFF  }
0xc8: {  	(tm) =	ssettm $0x7FFFFFFF  }
0xc9: {  	_ =	shalt  }
tec
execute0_lowered:
.L_overlay_start_1:
0x0: {  	(tag) =	ssettag $0x1  }
0x1: {  	s1 =	srdreg.scid  }
0x2: {  	s14 =	rddreg [dreg:$0x0];
	s0 =	stileid.u32;
	s15 =	sand.u32 $0x1, s1  }
0x3: {  	s3 =	rddreg [dreg:$0x1];
	s4 =	sshll.u32 s0, $0xA;
	s5 =	sshll.u32 s15, $0x9  }
0x4: {  	s2 =	simm.s32 $0x0;
	s1 =	rddreg [dreg:$0x2];
	s16 =	sor.u32 s5, s4  }
0x5: {  	[smem:$0x7FF] =	sst s2;
	s4 =	sshrl.u32 s16, $0x3  }
0x6: {  	_ =	strace $0x80000047;
	s4 =	sadd.s32 s3, s4;
	s3 =	simm.s32 $0x2  }
0x7: {  	[tilespmem:s2], [sflag:$0x2] =	stream.linear.gather [hbm4b:s4+s2], $0x200, $0x38;
	[tilespmem:$0x10200] =	vst v63  }
0x8: {  	_ =	swait.ge [sflag:s3], $0x200  }
0x9: {  	s6 =	simm.s32 $0x80;
	[sflag:s3] =	ssyncset.done $0x0  }
0xa: {  	s7 =	simm.s32 $0x200;
	s5 =	sadd.s32 $0x80C00, s14;
	[sflag:s3] =	ssyncadd.s32 $0xFFFFFE00  }
0xb: {  	[tilespmem:s7], [sflag:$0x1] =	stream.indirect.gather [hbm4b:s5+s6], $0x80, s2, s6, $0xb8;
	[tilespmem:$0x10200] =	vst v63  }
0xc: {  	s8 =	simm.s32 $0x4200  }
0xd: {  	[tilespmem:s8], [sflag:$0x1] =	stream.indirect.gather [hbm4b:s5+s6], $0x80, s6, s6, $0xb8;
	[tilespmem:$0x10200] =	vst v63  }
0xe: {  	s9 =	simm.s32 $0x100;
	s10 =	simm.s32 $0x8200  }
0xf: {  	[tilespmem:s10], [sflag:$0x1] =	stream.indirect.gather [hbm4b:s5+s6], $0x80, s9, s6, $0xb8;
	[tilespmem:$0x10200] =	vst v63  }
0x10: {  	s11 =	simm.s32 $0x180;
	s12 =	simm.s32 $0xC200;
	s13 =	simm.s32 $0x1  }
0x11: {  	[tilespmem:s12], [sflag:$0x1] =	stream.indirect.gather [hbm4b:s5+s6], $0x80, s11, s6, $0xb8;
	[tilespmem:$0x10200] =	vst v63  }
0x12: {  	_ =	swait.ge [sflag:s13], $0x4000  }
0x13: {  	[sflag:s13] =	ssyncset.done $0x0  }
0x14: {  	[sflag:s13] =	ssyncadd.s32 $0xFFFFC000  }
0x15: {  	_ =	swait.ge [sflag:s13], $0x4000  }
0x16: {  	[sflag:s13] =	ssyncset.done $0x0  }
0x17: {  	s15 =	ssub.s32 $0x2, s15;
	[sflag:s13] =	ssyncadd.s32 $0xFFFFC000  }
0x18: {  	s17 =	sshrl.u32 s15, $0x1;
	_ =	swait.ge [sflag:s13], $0x4000  }
0x19: {  	s15 =	ssub.s32 s15, s17;
	[sflag:s13] =	ssyncset.done $0x0  }
0x1a: {  	s15 =	smax.u32 s15, $0x1;
	[sflag:s13] =	ssyncadd.s32 $0xFFFFC000  }
0x1b: {  	s16 =	sshll.u32 s16, $0x4;
	p0 =	sne.s32 s15, $0x1;
	_ =	swait.ge [sflag:s13], $0x4000  }
.Ltmp0:
0x1c: {  	s14 =	sadd.s32 s16, s14;
	[sflag:s13] =	ssyncset.done $0x0;
	(pc) =	sbr.rel @!p0 .LBB2_2-.Ltmp0, $4  }
0x1d: {  	s14 =	sadd.s32 $0xE00, s14;
	[sflag:s13] =	ssyncadd.s32 $0xFFFFC000  }
0x1e: {  	[hbm4b:s14+s2] =	stream.linear.scatter [tilespmem:s7], [sflag:$0x2], $0x10000, $0x38;
	[tilespmem:$0x10200] =	vst v63  }
0x1f: {  	_ =	swait.ge [sflag:s3], $0x10000  }
0x20: {  	s15 =	sadd.s32 $0xFFFFFFFF, s15;
	[sflag:s3] =	ssyncset.done $0x0  }
.LBB2_1:
0x21: {  	p0 =	sne.s32 s15, $0x1;
	s15 =	sadd.s32 $0xFFFFFFFF, s15;
	[sflag:s3] =	ssyncadd.s32 $0xFFFF0000  }
0x22: {  	[tilespmem:s2], [sflag:$0x2] =	stream.linear.gather [hbm4b:s4+s2], $0x200, $0x38;
	[tilespmem:$0x10200] =	vst v63  }
0x23: {  	_ =	swait.ge [sflag:s3], $0x200  }
0x24: {  	[sflag:s3] =	ssyncset.done $0x0  }
0x25: {  	[sflag:s3] =	ssyncadd.s32 $0xFFFFFE00  }
0x26: {  	[tilespmem:s7], [sflag:$0x1] =	stream.indirect.gather [hbm4b:s5+s6], $0x80, s2, s6, $0xb8;
	[tilespmem:$0x10200] =	vst v63  }
0x27: {  	_ = 	snop  }
0x28: {  	[tilespmem:s8], [sflag:$0x1] =	stream.indirect.gather [hbm4b:s5+s6], $0x80, s6, s6, $0xb8;
	[tilespmem:$0x10200] =	vst v63  }
0x29: {  	_ = 	snop  }
0x2a: {  	[tilespmem:s10], [sflag:$0x1] =	stream.indirect.gather [hbm4b:s5+s6], $0x80, s9, s6, $0xb8;
	[tilespmem:$0x10200] =	vst v63  }
0x2b: {  	_ = 	snop  }
0x2c: {  	[tilespmem:s12], [sflag:$0x1] =	stream.indirect.gather [hbm4b:s5+s6], $0x80, s11, s6, $0xb8;
	[tilespmem:$0x10200] =	vst v63  }
0x2d: {  	_ =	swait.ge [sflag:s13], $0x4000  }
0x2e: {  	[sflag:s13] =	ssyncset.done $0x0  }
0x2f: {  	[sflag:s13] =	ssyncadd.s32 $0xFFFFC000  }
0x30: {  	_ =	swait.ge [sflag:s13], $0x4000  }
0x31: {  	[sflag:s13] =	ssyncset.done $0x0  }
0x32: {  	[sflag:s13] =	ssyncadd.s32 $0xFFFFC000  }
0x33: {  	_ =	swait.ge [sflag:s13], $0x4000  }
0x34: {  	[sflag:s13] =	ssyncset.done $0x0  }
0x35: {  	[sflag:s13] =	ssyncadd.s32 $0xFFFFC000  }
0x36: {  	_ =	swait.ge [sflag:s13], $0x4000  }
.Ltmp1:
0x37: {  	[sflag:s13] =	ssyncset.done $0x0;
	(pc) =	sbr.rel @p0 .LBB2_1-.Ltmp1, $4  }
0x38: {  	[sflag:s13] =	ssyncadd.s32 $0xFFFFC000  }
0x39: {  	[hbm4b:s14+s2] =	stream.linear.scatter [tilespmem:s7], [sflag:$0x2], $0x10000, $0x38;
	[tilespmem:$0x10200] =	vst v63  }
0x3a: {  	_ =	swait.ge [sflag:s3], $0x10000  }
0x3b: {  	[sflag:s3] =	ssyncset.done $0x0  }
.LBB2_2:
0x3c: {  	[sflag:s3] =	ssyncadd.s32 $0xFFFF0000  }
0x3d: {  	_ =	sfence.sel $0x180000  }
0x3e: {  	[bflag:$0x0] =	sbarrier.arrive $0xFFFF  }
0x3f: {  	p0 =	sne.s32 s0, $0x0;
	_ =	strace $0x90000047  }
0x40: {  	s0 =	sadd.s32 @!p0 $0x100000, s1;
	[bflag:$0x2] =	sbarrier.arrive $0xFFFF  }
0x41: {  	[sflag:s0] =	ssyncadd.tile.s32 @!p0 $0x1;
	_ =	shalt  }
.Lfunc_end2:
_tile_overlayer_lowered:
.L_overlay_start_2:
0x42: {  	(tag) =	ssettag $0x2  }
0x43: {  	s0 =	rddreg [dreg:$0x0];
	s2 =	stileid.u32  }
0x44: {  	s1 =	rddreg [dreg:$0x1];
	p0 =	sne.s32 s2, $0x0  }
0x45: {  	s3 =	rddreg [dreg:$0x2];
	[bflag:$0x3] =	sbarrier.arrive $0xFFFF;
	s2 =	simm.s32 @!p0 $0x1C02  }
0x46: {  	[timem:s3], [sflag:s2] =	dma.local @!p0 [hbm:s0], s1  }
0x47: {  	s0 =	simm.s32 @!p0 $0x2  }
0x48: {  	_ =	swait.ge @!p0 [sflag:s0], s1  }
0x49: {  	s1 =	ssub.s32 @!p0 $0x0, s1;
	[sflag:s0] =	ssyncset.done @!p0 $0x0  }
0x4a: {  	[sflag:s0] =	ssyncadd.s32 @!p0 s1  }
0x4b: {  	[bflag:$0x3] =	sbarrier.arrive $0xFFFF  }
0x4c: {  	_ =	shalt  }

// kernel: kernel.14.cloned.1.call-start
scs
__scs_entry_jumppad:
0x0: {  	(pc) =	sbr.rel $0x88, $3  }
0x1: {  	(tag) =	ssettag $0x0;
	lr =	simm.s32 $0x1  }
0x2: {  	[smem:$0x3F9F] =	sst lr;
	_ =	strace $0xD0000000  }
0x3: {  	_ = 	snop  }
0x4: {  	_ = 	snop  }
0x5: {  	_ = 	snop  }
0x6: {  	_ = 	snop  }
0x7: {  	_ = 	snop  }
__scs_overlays_trampoline_lowered:
0x8: {  	[smem:$0x3FAE] =	sst s0  }
0x9: {  	[smem:$0x3FAF] =	sst s1  }
0xa: {  	[smem:$0x3FB0] =	sst s2  }
0xb: {  	[smem:$0x3FB1] =	sst s3  }
0xc: {  	[smem:$0x3FB2] =	sst s4  }
0xd: {  	[smem:$0x3FB3] =	sst s5  }
0xe: {  	[smem:$0x3FB4] =	sst s6  }
0xf: {  	[smem:$0x3FB5] =	sst s7  }
0x10: {  	[smem:$0x3FB6] =	sst s8  }
0x11: {  	[smem:$0x3FB7] =	sst s9;
	s0 =	simm.s32 @!p0 $0x0  }
0x12: {  	s1 =	sld [smem:$0x3F9D];
	s0 =	simm.s32 @p0 $0x1  }
0x13: {  	[smem:$0x3FB8] =	sst s0;
	s0 =	simm.s32 @!p1 $0x0  }
0x14: {  	s2 =	sld [smem:$0x3F9C];
	s0 =	simm.s32 @p1 $0x1  }
0x15: {  	[smem:$0x3FB9] =	sst s0;
	s0 =	simm.s32 @!p2 $0x0  }
0x16: {  	s3 =	sld [smem:$0x3FDB];
	s0 =	simm.s32 @p2 $0x1  }
0x17: {  	s4 =	simm.s32 $0x1BF5;
	[smem:$0x3FBB] =	sst s0  }
0x18: {  	s0 =	sld [smem:$0x3F9E];
	_ =	swait.ge [sflag:s4], $0x0  }
0x19: {  	s7 =	sld [smem:$0x3F9F]  }
0x1a: {  	s8 =	sadd.s32 $0xFFFFE003, lr  }
0x1b: {  	s9 =	sadd.s32 $0xFFFFFEF7, lr;
	s5 =	simm.s32 $0xFFFFFFFF;
	p2 =	slt.u32 s8, $0xFFFFF086  }
0x1c: {  	p1 =	slt.u32 s9, $0xF7A;
	s5 =	simm.s32 @!p2 $0x0  }
0x1d: {  	s5 =	simm.s32 @p1 $0x1;
	p0 =	seq.s32 s7, s2  }
0x1e: {  	s7 =	smul.u32 @!p0 $0xF7A, s2;
	p2 =	seq.s32 @!p0 s5, $0x0  }
0x1f: {  	s9 =	smul.u32 $0xF7A, s1;
	s8 =	simm.s32 @!p0 $0x1BF5;
	p2 =	por !p2, p0  }
0x20: {  	[sflag:s8] =	ssyncset.s32 @!p0 $0xFFFFF086;
	s6 =	sadd.s32 @!p0 s3, s7;
	s7 =	simm.s32 @!p0 $0x108  }
0x21: {  	s3 =	sadd.s32 s3, s9;
	s6 =	sadd.s32 @!p0 $0x88, s6;
	s7 =	simm.s32 @p2 $0x1082  }
0x22: {  	[simem:s7], [sflag:s8] =	dma.local @!p0 [hbm:s6], $0xF7A  }
0x23: {  	s9 =	sor.u32 $0xD0000000, s2;
	s6 =	simm.s32 $0x108;
	_ =	swait.ge @!p0 [sflag:s8], $0x0  }
0x24: {  	s3 =	sadd.s32 $0x88, s3;
	s6 =	simm.s32 @!p1 $0x1082;
	[sflag:s4] =	ssyncset.s32 $0xFFFFF086  }
0x25: {  	[simem:s6], [sflag:s4] =	dma.local [hbm:s3], $0xF7A  }
0x26: {  	[smem:$0x3F9F] =	sst s1;
	(tag) =	ssettag s2;
	_ =	strace s9  }
0x27: {  	s1 =	sld [smem:$0x3FAF]  }
0x28: {  	s2 =	sld [smem:$0x3FB0]  }
0x29: {  	s4 =	sld [smem:$0x3FB2]  }
0x2a: {  	p0 =	seq.s32 s5, $0x0;
	s5 =	sld [smem:$0x3FB3]  }
0x2b: {  	s6 =	sld [smem:$0x3FB4]  }
0x2c: {  	s7 =	sld [smem:$0x3FB5]  }
0x2d: {  	s3 =	simm.s32 $0x108;
	s8 =	sld [smem:$0x3FB6]  }
0x2e: {  	s3 =	simm.s32 @!p0 $0x1082;
	s9 =	sld [smem:$0x3FB7]  }
0x2f: {  	lr =	sadd.s32 s0, s3;
	s0 =	sld [smem:$0x3FAE]  }
0x30: {  	s3 =	sld [smem:$0x3FB1]  }
0x31: {  	[smem:$0x3FBA] =	sst s10  }
0x32: {  	s10 =	sld [smem:$0x3FB8];
	_ =	sdelay $0x3  }
0x33: {  	p0 =	seq.s32 s10, $0x1;
	s10 =	sld [smem:$0x3FBA];
	_ =	sdelay $0x3  }
0x34: {  	[smem:$0x3FBA] =	sst s10  }
0x35: {  	s10 =	sld [smem:$0x3FB9];
	_ =	sdelay $0x3  }
0x36: {  	p1 =	seq.s32 s10, $0x1;
	s10 =	sld [smem:$0x3FBA];
	_ =	sdelay $0x3  }
0x37: {  	[smem:$0x3FBA] =	sst s10  }
0x38: {  	s10 =	sld [smem:$0x3FBB]  }
0x39: {  	_ = 	snop;
	(pc) =	sbr.ind lr, $3  }
0x3a: {  	_ = 	snop  }
0x3b: {  	_ = 	snop  }
0x3c: {  	p2 =	seq.s32 s10, $0x1;
	s10 =	sld [smem:$0x3FBA]  }
0x3d: {  	_ =	shalt  }
0x3e: {  	_ =	shalt  }
0x3f: {  	_ =	shalt  }
0x40: {  	_ =	shalt  }
0x41: {  	_ =	shalt  }
0x42: {  	_ =	shalt  }
0x43: {  	_ =	shalt  }
0x44: {  	_ =	shalt  }
0x45: {  	_ =	shalt  }
0x46: {  	_ =	shalt  }
0x47: {  	_ =	shalt  }
0x48: {  	_ =	shalt  }
0x49: {  	_ =	shalt  }
0x4a: {  	_ =	shalt  }
0x4b: {  	_ =	shalt  }
0x4c: {  	_ =	shalt  }
0x4d: {  	_ =	shalt  }
0x4e: {  	_ =	shalt  }
0x4f: {  	_ =	shalt  }
0x50: {  	_ =	shalt  }
0x51: {  	_ =	shalt  }
0x52: {  	_ =	shalt  }
0x53: {  	_ =	shalt  }
0x54: {  	_ =	shalt  }
0x55: {  	_ =	shalt  }
0x56: {  	_ =	shalt  }
0x57: {  	_ =	shalt  }
0x58: {  	_ =	shalt  }
0x59: {  	_ =	shalt  }
0x5a: {  	_ =	shalt  }
0x5b: {  	_ =	shalt  }
0x5c: {  	_ =	shalt  }
0x5d: {  	_ =	shalt  }
0x5e: {  	_ =	shalt  }
0x5f: {  	_ =	shalt  }
0x60: {  	_ =	shalt  }
0x61: {  	_ =	shalt  }
0x62: {  	_ =	shalt  }
0x63: {  	_ =	shalt  }
0x64: {  	_ =	shalt  }
0x65: {  	_ =	shalt  }
0x66: {  	_ =	shalt  }
0x67: {  	_ =	shalt  }
0x68: {  	_ =	shalt  }
0x69: {  	_ =	shalt  }
0x6a: {  	_ =	shalt  }
0x6b: {  	_ =	shalt  }
0x6c: {  	_ =	shalt  }
0x6d: {  	_ =	shalt  }
0x6e: {  	_ =	shalt  }
0x6f: {  	_ =	shalt  }
0x70: {  	_ =	shalt  }
0x71: {  	_ =	shalt  }
0x72: {  	_ =	shalt  }
0x73: {  	_ =	shalt  }
0x74: {  	_ =	shalt  }
0x75: {  	_ =	shalt  }
0x76: {  	_ =	shalt  }
0x77: {  	_ =	shalt  }
0x78: {  	_ =	shalt  }
0x79: {  	_ =	shalt  }
0x7a: {  	_ =	shalt  }
0x7b: {  	_ =	shalt  }
0x7c: {  	_ =	shalt  }
0x7d: {  	_ =	shalt  }
0x7e: {  	_ =	shalt  }
0x7f: {  	_ =	shalt  }
0x80: {  	_ =	shalt  }
0x81: {  	_ =	shalt  }
0x82: {  	_ =	shalt  }
0x83: {  	_ =	shalt  }
0x84: {  	_ =	shalt  }
0x85: {  	_ =	shalt  }
0x86: {  	_ =	shalt  }
0x87: {  	_ =	shalt  }
.Lfunc_end0:
.L_simem_size_0:
called_computation.1_lowered:
.L_overlay_start_0:
0x88: {  	s2 =	sld [smem:$0x3FD9]  }
0x89: {  	s3 =	sld [smem:$0x3FFE];
	_ =	sdelay $0x1  }
0x8a: {  	s1 =	srdreg.scid  }
0x8b: {  	s0 =	sand.u32 $0x1, s1  }
0x8c: {  	s16 =	sshll.u32 s0, $0xA;
	s2 =	sadd.s32 s3, s2  }
0x8d: {  	s2 =	sadd.s32 s2, s16  }
0x8e: {  	[smem:$0x3FC6] =	sst s2  }
0x8f: {  	_ = 	snop  }
0x90: {  	(tm) =	ssettm $0x1  }
0x91: {  	s17 =	sld [smem:$0x3FFB];
	_ =	sdelay $0x3  }
0x92: {  	_ =	strace s17  }
0x93: {  	s2 =	sld [smem:$0x3FFC];
	_ =	sdelay $0x3  }
0x94: {  	_ =	strace s2  }
0x95: {  	s2 =	sld [smem:$0x3FFD];
	_ =	sdelay $0x3  }
0x96: {  	_ =	strace s2  }
0x97: {  	_ =	strace $0x8FFFFFFF  }
0x98: {  	s18 =	sld [smem:$0x3FDB];
	_ =	sdelay $0x1  }
0x99: {  	s19 =	simm.s32 $_scs_section_size  }
0x9a: {  	s4 =	simm.s32 $_size__tile_overlayer_lowered;
	s5 =	simm.s32 $_tile_overlayer_lowered  }
0x9b: {  	s22 =	simm.s32 $0x1BFF;
	s21 =	sshll.u32 s5, $0x1;
	s2 =	sadd.s32 s19, s18  }
0x9c: {  	s6 =	simm.s32 $0x0;
	s20 =	sshll.u32 s4, $0x1;
	s4 =	sadd.s32 s21, s2  }
0x9d: {  	[timem:s6], [sflag:s22] =	dma.local [hbm:s4], s20  }
0x9e: {  	_ =	swait.ge [sflag:s22], s20  }
0x9f: {  	s3 =	ssub.s32 $0x0, s20;
	[sflag:s22] =	ssyncset.done $0x0  }
0xa0: {  	[sflag:s22] =	ssyncadd.s32 s3;
	_ =	sdelay $0x1  }
0xa1: {  	s23 =	simm.s32 $0x1B8B  }
0xa2: {  	_ =	swait.ge [sflag:s23], $0x1  }
0xa3: {  	[sflag:s23] =	ssyncset.done $0x0  }
0xa4: {  	s25 =	simm.s32 $0x1B8E;
	s24 =	sld [smem:$0x3FFE];
	[sflag:s23] =	ssyncadd.s32 $0xFFFFFFFF  }
0xa5: {  	s26 =	simm.s32 $execute0_lowered;
	[smem:$0x3FD2] =	sst s25  }
0xa6: {  	s4 =	sshll.u32 s26, $0x1;
	_ =	strace $0x80000049;
	[dreg:$0x1] =	wrdreg $0xFFFFFFFF  }
0xa7: {  	s28 =	simm.s32 $_size_execute0_lowered;
	s2 =	sadd.s32 s2, s4;
	[dreg:$0x0] =	wrdreg $0x0  }
0xa8: {  	s4 =	sshll.u32 s28, $0x1;
	[dreg:$0x2] =	wrdreg s2  }
0xa9: {  	[dreg:$0x3] =	wrdreg s4  }
0xaa: {  	[dreg:$0x4] =	wrdreg $0xC0  }
0xab: {  	_ =	task [dreg:s6], $0x5FFFF  }
0xac: {  	[dreg:$0x1] =	wrdreg $0xFFFFFFFF  }
0xad: {  	[dreg:$0x0] =	wrdreg $0x60  }
0xae: {  	[dreg:$0x2] =	wrdreg s24  }
0xaf: {  	[dreg:$0x3] =	wrdreg $0x9  }
0xb0: {  	_ =	task.clear_ibuf [dreg:s6], $0x4FFFF;
	_ =	strace $0x90000049  }
0xb1: {  	s29 =	simm.s32 $0x9;
	_ =	strace $0x8000004B  }
0xb2: {  	_ =	swait.ge [sflag:s29], $0x1  }
0xb3: {  	[sflag:s29] =	ssyncadd.s32 $0xFFFFFFFF  }
0xb4: {  	_ =	strace $0x9000004B  }
0xb5: {  	_ =	sfence  }
0xb6: {  	s30 =	sld [smem:$0x0];
	_ =	sdelay $0x2  }
0xb7: {  	s31 =	sshll.u32 s1, $0xD;
	s1 =	sshrl.u32 s1, $0x2  }
0xb8: {  	s3 =	sand.u32 $0x4000, s31;
	s1 =	sadd.s32 s1, s30  }
0xb9: {  	s0 =	sor.u32 s3, s0;
	s1 =	sshll.u32 s1, $0x11  }
0xba: {  	s0 =	sor.u32 s1, s0  }
0xbb: {  	s0 =	sadd.s32 $0x8F2B, s0  }
0xbc: {  	[sflag:s0] =	ssyncadd.remote.s32 $0x1  }
0xbd: {  	_ =	sfence.sel $0xFFFF  }
0xbe: {  	[dreg:$0x0] =	wrdreg $0xFFFFFFFF;
	(pc) =	sbr.abs _section_cstart, $3  }
0xbf: {  	[dreg:$0x1] =	wrdreg $0xFFFFFFFF  }
0xc0: {  	_ =	task.clear_ibuf [dreg:s6], $0x2FFFF;
	_ =	strace $0x9FFFFFFF  }
0xc1: {  	(tm) =	ssettm $0x7FFFFFFF  }
tec
execute0_lowered:
.L_overlay_start_1:
0x0: {  	(tag) =	ssettag $0x1  }
0x1: {  	s1 =	srdreg.scid  }
0x2: {  	s0 =	stileid.u32;
	s14 =	sand.u32 $0x1, s1  }
0x3: {  	s29 =	sshll.u32 s0, $0xA;
	s2 =	sshll.u32 s14, $0x9  }
0x4: {  	s15 =	rddreg [dreg:$0x0];
	s16 =	sor.u32 s2, s29  }
0x5: {  	s1 =	rddreg [dreg:$0x1];
	s2 =	simm.s32 $0x0;
	s3 =	sshrl.u32 s16, $0x3  }
0x6: {  	[smem:$0x7FF] =	sst s2;
	s3 =	sadd.s32 s3, s15  }
0x7: {  	_ =	strace $0x8000004A;
	s4 =	sadd.s32 $0xE00, s3;
	s3 =	simm.s32 $0x2  }
0x8: {  	[tilespmem:s2], [sflag:$0x2] =	stream.linear.gather [hbm4b:s4+s2], $0x200, $0x38;
	[tilespmem:$0x10200] =	vst v63  }
0x9: {  	_ =	swait.ge [sflag:s3], $0x200  }
0xa: {  	s6 =	simm.s32 $0x80;
	[sflag:s3] =	ssyncset.done $0x0  }
0xb: {  	s7 =	simm.s32 $0x200;
	s5 =	sadd.s32 $0xA0C00, s15;
	[sflag:s3] =	ssyncadd.s32 $0xFFFFFE00  }
0xc: {  	[tilespmem:s7], [sflag:$0x1] =	stream.indirect.gather [hbm4b:s5+s6], $0x80, s2, s6, $0xb8;
	[tilespmem:$0x10200] =	vst v63  }
0xd: {  	s8 =	simm.s32 $0x4200  }
0xe: {  	[tilespmem:s8], [sflag:$0x1] =	stream.indirect.gather [hbm4b:s5+s6], $0x80, s6, s6, $0xb8;
	[tilespmem:$0x10200] =	vst v63  }
0xf: {  	s9 =	simm.s32 $0x100;
	s10 =	simm.s32 $0x8200  }
0x10: {  	[tilespmem:s10], [sflag:$0x1] =	stream.indirect.gather [hbm4b:s5+s6], $0x80, s9, s6, $0xb8;
	[tilespmem:$0x10200] =	vst v63  }
0x11: {  	s11 =	simm.s32 $0x180;
	s12 =	simm.s32 $0xC200;
	s13 =	simm.s32 $0x1  }
0x12: {  	[tilespmem:s12], [sflag:$0x1] =	stream.indirect.gather [hbm4b:s5+s6], $0x80, s11, s6, $0xb8;
	[tilespmem:$0x10200] =	vst v63  }
0x13: {  	_ =	swait.ge [sflag:s13], $0x4000  }
0x14: {  	[sflag:s13] =	ssyncset.done $0x0  }
0x15: {  	[sflag:s13] =	ssyncadd.s32 $0xFFFFC000  }
0x16: {  	_ =	swait.ge [sflag:s13], $0x4000  }
0x17: {  	[sflag:s13] =	ssyncset.done $0x0  }
0x18: {  	s14 =	ssub.s32 $0x2, s14;
	[sflag:s13] =	ssyncadd.s32 $0xFFFFC000  }
0x19: {  	s17 =	sshrl.u32 s14, $0x1;
	_ =	swait.ge [sflag:s13], $0x4000  }
0x1a: {  	s30 =	ssub.s32 s14, s17;
	[sflag:s13] =	ssyncset.done $0x0  }
0x1b: {  	s31 =	smax.u32 s30, $0x1;
	[sflag:s13] =	ssyncadd.s32 $0xFFFFC000  }
0x1c: {  	s16 =	sshll.u32 s16, $0x4;
	p0 =	sne.s32 s31, $0x1;
	_ =	swait.ge [sflag:s13], $0x4000  }
.Ltmp0:
0x1d: {  	s15 =	sadd.s32 s16, s15;
	[sflag:s13] =	ssyncset.done $0x0;
	(pc) =	sbr.rel @!p0 .LBB2_2-.Ltmp0, $4  }
0x1e: {  	s14 =	sadd.s32 $0x1600, s15;
	[sflag:s13] =	ssyncadd.s32 $0xFFFFC000  }
0x1f: {  	[hbm4b:s14+s2] =	stream.linear.scatter [tilespmem:s7], [sflag:$0x2], $0x10000, $0x38;
	[tilespmem:$0x10200] =	vst v63  }
0x20: {  	_ =	swait.ge [sflag:s3], $0x10000  }
0x21: {  	s15 =	sadd.s32 $0xFFFFFFFF, s31;
	[sflag:s3] =	ssyncset.done $0x0  }
.LBB2_1:
0x22: {  	p0 =	sne.s32 s15, $0x1;
	s15 =	sadd.s32 $0xFFFFFFFF, s15;
	[sflag:s3] =	ssyncadd.s32 $0xFFFF0000  }
0x23: {  	[tilespmem:s2], [sflag:$0x2] =	stream.linear.gather [hbm4b:s4+s2], $0x200, $0x38;
	[tilespmem:$0x10200] =	vst v63  }
0x24: {  	_ =	swait.ge [sflag:s3], $0x200  }
0x25: {  	[sflag:s3] =	ssyncset.done $0x0  }
0x26: {  	[sflag:s3] =	ssyncadd.s32 $0xFFFFFE00  }
0x27: {  	[tilespmem:s7], [sflag:$0x1] =	stream.indirect.gather [hbm4b:s5+s6], $0x80, s2, s6, $0xb8;
	[tilespmem:$0x10200] =	vst v63  }
0x28: {  	_ = 	snop  }
0x29: {  	[tilespmem:s8], [sflag:$0x1] =	stream.indirect.gather [hbm4b:s5+s6], $0x80, s6, s6, $0xb8;
	[tilespmem:$0x10200] =	vst v63  }
0x2a: {  	_ = 	snop  }
0x2b: {  	[tilespmem:s10], [sflag:$0x1] =	stream.indirect.gather [hbm4b:s5+s6], $0x80, s9, s6, $0xb8;
	[tilespmem:$0x10200] =	vst v63  }
0x2c: {  	_ = 	snop  }
0x2d: {  	[tilespmem:s12], [sflag:$0x1] =	stream.indirect.gather [hbm4b:s5+s6], $0x80, s11, s6, $0xb8;
	[tilespmem:$0x10200] =	vst v63  }
0x2e: {  	_ =	swait.ge [sflag:s13], $0x4000  }
0x2f: {  	[sflag:s13] =	ssyncset.done $0x0  }
0x30: {  	[sflag:s13] =	ssyncadd.s32 $0xFFFFC000  }
0x31: {  	_ =	swait.ge [sflag:s13], $0x4000  }
0x32: {  	[sflag:s13] =	ssyncset.done $0x0  }
0x33: {  	[sflag:s13] =	ssyncadd.s32 $0xFFFFC000  }
0x34: {  	_ =	swait.ge [sflag:s13], $0x4000  }
0x35: {  	[sflag:s13] =	ssyncset.done $0x0  }
0x36: {  	[sflag:s13] =	ssyncadd.s32 $0xFFFFC000  }
0x37: {  	_ =	swait.ge [sflag:s13], $0x4000  }
.Ltmp1:
0x38: {  	[sflag:s13] =	ssyncset.done $0x0;
	(pc) =	sbr.rel @p0 .LBB2_1-.Ltmp1, $4  }
0x39: {  	[sflag:s13] =	ssyncadd.s32 $0xFFFFC000  }
0x3a: {  	[hbm4b:s14+s2] =	stream.linear.scatter [tilespmem:s7], [sflag:$0x2], $0x10000, $0x38;
	[tilespmem:$0x10200] =	vst v63  }
0x3b: {  	_ =	swait.ge [sflag:s3], $0x10000  }
0x3c: {  	[sflag:s3] =	ssyncset.done $0x0  }
.LBB2_2:
0x3d: {  	[sflag:s3] =	ssyncadd.s32 $0xFFFF0000  }
0x3e: {  	_ =	sfence.sel $0x180000  }
0x3f: {  	[bflag:$0x0] =	sbarrier.arrive $0xFFFF  }
0x40: {  	p0 =	sne.s32 s0, $0x0;
	_ =	strace $0x9000004A  }
0x41: {  	s0 =	sadd.s32 @!p0 $0x100000, s1;
	[bflag:$0x2] =	sbarrier.arrive $0xFFFF  }
0x42: {  	[sflag:s0] =	ssyncadd.tile.s32 @!p0 $0x1;
	_ =	shalt  }
.Lfunc_end2:
_tile_overlayer_lowered:
.L_overlay_start_2:
0x43: {  	(tag) =	ssettag $0x2  }
0x44: {  	s0 =	rddreg [dreg:$0x0];
	s2 =	stileid.u32  }
0x45: {  	s1 =	rddreg [dreg:$0x1];
	p0 =	sne.s32 s2, $0x0  }
0x46: {  	s3 =	rddreg [dreg:$0x2];
	[bflag:$0x3] =	sbarrier.arrive $0xFFFF;
	s2 =	simm.s32 @!p0 $0x1C02  }
0x47: {  	[timem:s3], [sflag:s2] =	dma.local @!p0 [hbm:s0], s1  }
0x48: {  	s0 =	simm.s32 @!p0 $0x2  }
0x49: {  	_ =	swait.ge @!p0 [sflag:s0], s1  }
0x4a: {  	s1 =	ssub.s32 @!p0 $0x0, s1;
	[sflag:s0] =	ssyncset.done @!p0 $0x0  }
0x4b: {  	[sflag:s0] =	ssyncadd.s32 @!p0 s1  }
0x4c: {  	[bflag:$0x3] =	sbarrier.arrive $0xFFFF  }
0x4d: {  	_ =	shalt  }

// kernel: kernel.17.cloned.1.call-start
scs
__scs_entry_jumppad:
0x0: {  	(pc) =	sbr.rel $0x88, $3  }
0x1: {  	(tag) =	ssettag $0x0;
	lr =	simm.s32 $0x1  }
0x2: {  	[smem:$0x3F9F] =	sst lr;
	_ =	strace $0xD0000000  }
0x3: {  	_ = 	snop  }
0x4: {  	_ = 	snop  }
0x5: {  	_ = 	snop  }
0x6: {  	_ = 	snop  }
0x7: {  	_ = 	snop  }
__scs_overlays_trampoline_lowered:
0x8: {  	[smem:$0x3FAE] =	sst s0  }
0x9: {  	[smem:$0x3FAF] =	sst s1  }
0xa: {  	[smem:$0x3FB0] =	sst s2  }
0xb: {  	[smem:$0x3FB1] =	sst s3  }
0xc: {  	[smem:$0x3FB2] =	sst s4  }
0xd: {  	[smem:$0x3FB3] =	sst s5  }
0xe: {  	[smem:$0x3FB4] =	sst s6  }
0xf: {  	[smem:$0x3FB5] =	sst s7  }
0x10: {  	[smem:$0x3FB6] =	sst s8  }
0x11: {  	[smem:$0x3FB7] =	sst s9;
	s0 =	simm.s32 @!p0 $0x0  }
0x12: {  	s1 =	sld [smem:$0x3F9D];
	s0 =	simm.s32 @p0 $0x1  }
0x13: {  	[smem:$0x3FB8] =	sst s0;
	s0 =	simm.s32 @!p1 $0x0  }
0x14: {  	s2 =	sld [smem:$0x3F9C];
	s0 =	simm.s32 @p1 $0x1  }
0x15: {  	[smem:$0x3FB9] =	sst s0;
	s0 =	simm.s32 @!p2 $0x0  }
0x16: {  	s3 =	sld [smem:$0x3FDB];
	s0 =	simm.s32 @p2 $0x1  }
0x17: {  	s4 =	simm.s32 $0x1BF5;
	[smem:$0x3FBB] =	sst s0  }
0x18: {  	s0 =	sld [smem:$0x3F9E];
	_ =	swait.ge [sflag:s4], $0x0  }
0x19: {  	s7 =	sld [smem:$0x3F9F]  }
0x1a: {  	s8 =	sadd.s32 $0xFFFFE003, lr  }
0x1b: {  	s9 =	sadd.s32 $0xFFFFFEF7, lr;
	s5 =	simm.s32 $0xFFFFFFFF;
	p2 =	slt.u32 s8, $0xFFFFF086  }
0x1c: {  	p1 =	slt.u32 s9, $0xF7A;
	s5 =	simm.s32 @!p2 $0x0  }
0x1d: {  	s5 =	simm.s32 @p1 $0x1;
	p0 =	seq.s32 s7, s2  }
0x1e: {  	s7 =	smul.u32 @!p0 $0xF7A, s2;
	p2 =	seq.s32 @!p0 s5, $0x0  }
0x1f: {  	s9 =	smul.u32 $0xF7A, s1;
	s8 =	simm.s32 @!p0 $0x1BF5;
	p2 =	por !p2, p0  }
0x20: {  	[sflag:s8] =	ssyncset.s32 @!p0 $0xFFFFF086;
	s6 =	sadd.s32 @!p0 s3, s7;
	s7 =	simm.s32 @!p0 $0x108  }
0x21: {  	s3 =	sadd.s32 s3, s9;
	s6 =	sadd.s32 @!p0 $0x88, s6;
	s7 =	simm.s32 @p2 $0x1082  }
0x22: {  	[simem:s7], [sflag:s8] =	dma.local @!p0 [hbm:s6], $0xF7A  }
0x23: {  	s9 =	sor.u32 $0xD0000000, s2;
	s6 =	simm.s32 $0x108;
	_ =	swait.ge @!p0 [sflag:s8], $0x0  }
0x24: {  	s3 =	sadd.s32 $0x88, s3;
	s6 =	simm.s32 @!p1 $0x1082;
	[sflag:s4] =	ssyncset.s32 $0xFFFFF086  }
0x25: {  	[simem:s6], [sflag:s4] =	dma.local [hbm:s3], $0xF7A  }
0x26: {  	[smem:$0x3F9F] =	sst s1;
	(tag) =	ssettag s2;
	_ =	strace s9  }
0x27: {  	s1 =	sld [smem:$0x3FAF]  }
0x28: {  	s2 =	sld [smem:$0x3FB0]  }
0x29: {  	s4 =	sld [smem:$0x3FB2]  }
0x2a: {  	p0 =	seq.s32 s5, $0x0;
	s5 =	sld [smem:$0x3FB3]  }
0x2b: {  	s6 =	sld [smem:$0x3FB4]  }
0x2c: {  	s7 =	sld [smem:$0x3FB5]  }
0x2d: {  	s3 =	simm.s32 $0x108;
	s8 =	sld [smem:$0x3FB6]  }
0x2e: {  	s3 =	simm.s32 @!p0 $0x1082;
	s9 =	sld [smem:$0x3FB7]  }
0x2f: {  	lr =	sadd.s32 s0, s3;
	s0 =	sld [smem:$0x3FAE]  }
0x30: {  	s3 =	sld [smem:$0x3FB1]  }
0x31: {  	[smem:$0x3FBA] =	sst s10  }
0x32: {  	s10 =	sld [smem:$0x3FB8];
	_ =	sdelay $0x3  }
0x33: {  	p0 =	seq.s32 s10, $0x1;
	s10 =	sld [smem:$0x3FBA];
	_ =	sdelay $0x3  }
0x34: {  	[smem:$0x3FBA] =	sst s10  }
0x35: {  	s10 =	sld [smem:$0x3FB9];
	_ =	sdelay $0x3  }
0x36: {  	p1 =	seq.s32 s10, $0x1;
	s10 =	sld [smem:$0x3FBA];
	_ =	sdelay $0x3  }
0x37: {  	[smem:$0x3FBA] =	sst s10  }
0x38: {  	s10 =	sld [smem:$0x3FBB]  }
0x39: {  	_ = 	snop;
	(pc) =	sbr.ind lr, $3  }
0x3a: {  	_ = 	snop  }
0x3b: {  	_ = 	snop  }
0x3c: {  	p2 =	seq.s32 s10, $0x1;
	s10 =	sld [smem:$0x3FBA]  }
0x3d: {  	_ =	shalt  }
0x3e: {  	_ =	shalt  }
0x3f: {  	_ =	shalt  }
0x40: {  	_ =	shalt  }
0x41: {  	_ =	shalt  }
0x42: {  	_ =	shalt  }
0x43: {  	_ =	shalt  }
0x44: {  	_ =	shalt  }
0x45: {  	_ =	shalt  }
0x46: {  	_ =	shalt  }
0x47: {  	_ =	shalt  }
0x48: {  	_ =	shalt  }
0x49: {  	_ =	shalt  }
0x4a: {  	_ =	shalt  }
0x4b: {  	_ =	shalt  }
0x4c: {  	_ =	shalt  }
0x4d: {  	_ =	shalt  }
0x4e: {  	_ =	shalt  }
0x4f: {  	_ =	shalt  }
0x50: {  	_ =	shalt  }
0x51: {  	_ =	shalt  }
0x52: {  	_ =	shalt  }
0x53: {  	_ =	shalt  }
0x54: {  	_ =	shalt  }
0x55: {  	_ =	shalt  }
0x56: {  	_ =	shalt  }
0x57: {  	_ =	shalt  }
0x58: {  	_ =	shalt  }
0x59: {  	_ =	shalt  }
0x5a: {  	_ =	shalt  }
0x5b: {  	_ =	shalt  }
0x5c: {  	_ =	shalt  }
0x5d: {  	_ =	shalt  }
0x5e: {  	_ =	shalt  }
0x5f: {  	_ =	shalt  }
0x60: {  	_ =	shalt  }
0x61: {  	_ =	shalt  }
0x62: {  	_ =	shalt  }
0x63: {  	_ =	shalt  }
0x64: {  	_ =	shalt  }
0x65: {  	_ =	shalt  }
0x66: {  	_ =	shalt  }
0x67: {  	_ =	shalt  }
0x68: {  	_ =	shalt  }
0x69: {  	_ =	shalt  }
0x6a: {  	_ =	shalt  }
0x6b: {  	_ =	shalt  }
0x6c: {  	_ =	shalt  }
0x6d: {  	_ =	shalt  }
0x6e: {  	_ =	shalt  }
0x6f: {  	_ =	shalt  }
0x70: {  	_ =	shalt  }
0x71: {  	_ =	shalt  }
0x72: {  	_ =	shalt  }
0x73: {  	_ =	shalt  }
0x74: {  	_ =	shalt  }
0x75: {  	_ =	shalt  }
0x76: {  	_ =	shalt  }
0x77: {  	_ =	shalt  }
0x78: {  	_ =	shalt  }
0x79: {  	_ =	shalt  }
0x7a: {  	_ =	shalt  }
0x7b: {  	_ =	shalt  }
0x7c: {  	_ =	shalt  }
0x7d: {  	_ =	shalt  }
0x7e: {  	_ =	shalt  }
0x7f: {  	_ =	shalt  }
0x80: {  	_ =	shalt  }
0x81: {  	_ =	shalt  }
0x82: {  	_ =	shalt  }
0x83: {  	_ =	shalt  }
0x84: {  	_ =	shalt  }
0x85: {  	_ =	shalt  }
0x86: {  	_ =	shalt  }
0x87: {  	_ =	shalt  }
.Lfunc_end0:
.L_simem_size_0:
called_computation.2_lowered:
.L_overlay_start_0:
0x88: {  	s2 =	sld [smem:$0x3FD9]  }
0x89: {  	s3 =	sld [smem:$0x3FFE];
	_ =	sdelay $0x1  }
0x8a: {  	s1 =	srdreg.scid  }
0x8b: {  	s0 =	sand.u32 $0x1, s1  }
0x8c: {  	s16 =	sshll.u32 s0, $0xA;
	s2 =	sadd.s32 s3, s2  }
0x8d: {  	s2 =	sadd.s32 s2, s16  }
0x8e: {  	[smem:$0x3FC6] =	sst s2  }
0x8f: {  	_ = 	snop  }
0x90: {  	(tm) =	ssettm $0x1  }
0x91: {  	s17 =	sld [smem:$0x3FFB];
	_ =	sdelay $0x3  }
0x92: {  	_ =	strace s17  }
0x93: {  	s2 =	sld [smem:$0x3FFC];
	_ =	sdelay $0x3  }
0x94: {  	_ =	strace s2  }
0x95: {  	s2 =	sld [smem:$0x3FFD];
	_ =	sdelay $0x3  }
0x96: {  	_ =	strace s2  }
0x97: {  	_ =	strace $0x8FFFFFFF  }
0x98: {  	s18 =	sld [smem:$0x3FDB];
	_ =	sdelay $0x1  }
0x99: {  	s19 =	simm.s32 $_scs_section_size  }
0x9a: {  	s4 =	simm.s32 $_size__tile_overlayer_lowered;
	s5 =	simm.s32 $_tile_overlayer_lowered  }
0x9b: {  	s22 =	simm.s32 $0x1BFF;
	s21 =	sshll.u32 s5, $0x1;
	s2 =	sadd.s32 s19, s18  }
0x9c: {  	s6 =	simm.s32 $0x0;
	s20 =	sshll.u32 s4, $0x1;
	s4 =	sadd.s32 s21, s2  }
0x9d: {  	[timem:s6], [sflag:s22] =	dma.local [hbm:s4], s20  }
0x9e: {  	_ =	swait.ge [sflag:s22], s20  }
0x9f: {  	s3 =	ssub.s32 $0x0, s20;
	[sflag:s22] =	ssyncset.done $0x0  }
0xa0: {  	[sflag:s22] =	ssyncadd.s32 s3;
	_ =	sdelay $0x1  }
0xa1: {  	s23 =	simm.s32 $0x1B8B  }
0xa2: {  	_ =	swait.ge [sflag:s23], $0x1  }
0xa3: {  	[sflag:s23] =	ssyncset.done $0x0  }
0xa4: {  	s25 =	simm.s32 $0x1B8E;
	s24 =	sld [smem:$0x3FFE];
	[sflag:s23] =	ssyncadd.s32 $0xFFFFFFFF  }
0xa5: {  	s26 =	simm.s32 $execute0_lowered;
	[smem:$0x3FD2] =	sst s25  }
0xa6: {  	s4 =	sshll.u32 s26, $0x1;
	_ =	strace $0x8000004C;
	[dreg:$0x1] =	wrdreg $0xFFFFFFFF  }
0xa7: {  	s28 =	simm.s32 $_size_execute0_lowered;
	s2 =	sadd.s32 s2, s4;
	[dreg:$0x0] =	wrdreg $0x0  }
0xa8: {  	s4 =	sshll.u32 s28, $0x1;
	[dreg:$0x2] =	wrdreg s2  }
0xa9: {  	[dreg:$0x3] =	wrdreg s4  }
0xaa: {  	[dreg:$0x4] =	wrdreg $0xC0  }
0xab: {  	_ =	task [dreg:s6], $0x5FFFF  }
0xac: {  	[dreg:$0x1] =	wrdreg $0xFFFFFFFF  }
0xad: {  	[dreg:$0x0] =	wrdreg $0x60  }
0xae: {  	[dreg:$0x2] =	wrdreg s24  }
0xaf: {  	[dreg:$0x3] =	wrdreg $0x9  }
0xb0: {  	_ =	task.clear_ibuf [dreg:s6], $0x4FFFF;
	_ =	strace $0x9000004C  }
0xb1: {  	s29 =	simm.s32 $0x9;
	_ =	strace $0x8000004E  }
0xb2: {  	_ =	swait.ge [sflag:s29], $0x1  }
0xb3: {  	[sflag:s29] =	ssyncadd.s32 $0xFFFFFFFF  }
0xb4: {  	_ =	strace $0x9000004E  }
0xb5: {  	_ =	sfence  }
0xb6: {  	s30 =	sld [smem:$0x0];
	_ =	sdelay $0x2  }
0xb7: {  	s31 =	sshll.u32 s1, $0xD;
	s1 =	sshrl.u32 s1, $0x2  }
0xb8: {  	s3 =	sand.u32 $0x4000, s31;
	s1 =	sadd.s32 s1, s30  }
0xb9: {  	s0 =	sor.u32 s3, s0;
	s1 =	sshll.u32 s1, $0x11  }
0xba: {  	s0 =	sor.u32 s1, s0  }
0xbb: {  	s0 =	sadd.s32 $0x8F2B, s0  }
0xbc: {  	[sflag:s0] =	ssyncadd.remote.s32 $0x1  }
0xbd: {  	_ =	sfence.sel $0xFFFF  }
0xbe: {  	[dreg:$0x0] =	wrdreg $0xFFFFFFFF;
	(pc) =	sbr.abs _section_cstart, $3  }
0xbf: {  	[dreg:$0x1] =	wrdreg $0xFFFFFFFF  }
0xc0: {  	_ =	task.clear_ibuf [dreg:s6], $0x2FFFF;
	_ =	strace $0x9FFFFFFF  }
0xc1: {  	(tm) =	ssettm $0x7FFFFFFF  }
tec
execute0_lowered:
.L_overlay_start_1:
0x0: {  	(tag) =	ssettag $0x1  }
0x1: {  	s1 =	srdreg.scid  }
0x2: {  	s0 =	stileid.u32;
	s14 =	sand.u32 $0x1, s1  }
0x3: {  	s29 =	sshll.u32 s0, $0xA;
	s2 =	sshll.u32 s14, $0x9  }
0x4: {  	s15 =	rddreg [dreg:$0x0];
	s16 =	sor.u32 s2, s29  }
0x5: {  	s1 =	rddreg [dreg:$0x1];
	s2 =	simm.s32 $0x0;
	s3 =	sshrl.u32 s16, $0x3  }
0x6: {  	[smem:$0x7FF] =	sst s2;
	s3 =	sadd.s32 s3, s15  }
0x7: {  	_ =	strace $0x8000004D;
	s4 =	sadd.s32 $0x100C00, s3;
	s3 =	simm.s32 $0x2  }
0x8: {  	[tilespmem:s2], [sflag:$0x2] =	stream.linear.gather [hbm4b:s4+s2], $0x200, $0x38;
	[tilespmem:$0x10200] =	vst v63  }
0x9: {  	_ =	swait.ge [sflag:s3], $0x200  }
0xa: {  	s6 =	simm.s32 $0x80;
	[sflag:s3] =	ssyncset.done $0x0  }
0xb: {  	s7 =	simm.s32 $0x200;
	s5 =	sadd.s32 $0xC0C00, s15;
	[sflag:s3] =	ssyncadd.s32 $0xFFFFFE00  }
0xc: {  	[tilespmem:s7], [sflag:$0x1] =	stream.indirect.gather [hbm4b:s5+s6], $0x80, s2, s6, $0xb8;
	[tilespmem:$0x10200] =	vst v63  }
0xd: {  	s8 =	simm.s32 $0x4200  }
0xe: {  	[tilespmem:s8], [sflag:$0x1] =	stream.indirect.gather [hbm4b:s5+s6], $0x80, s6, s6, $0xb8;
	[tilespmem:$0x10200] =	vst v63  }
0xf: {  	s9 =	simm.s32 $0x100;
	s10 =	simm.s32 $0x8200  }
0x10: {  	[tilespmem:s10], [sflag:$0x1] =	stream.indirect.gather [hbm4b:s5+s6], $0x80, s9, s6, $0xb8;
	[tilespmem:$0x10200] =	vst v63  }
0x11: {  	s11 =	simm.s32 $0x180;
	s12 =	simm.s32 $0xC200;
	s13 =	simm.s32 $0x1  }
0x12: {  	[tilespmem:s12], [sflag:$0x1] =	stream.indirect.gather [hbm4b:s5+s6], $0x80, s11, s6, $0xb8;
	[tilespmem:$0x10200] =	vst v63  }
0x13: {  	_ =	swait.ge [sflag:s13], $0x4000  }
0x14: {  	[sflag:s13] =	ssyncset.done $0x0  }
0x15: {  	[sflag:s13] =	ssyncadd.s32 $0xFFFFC000  }
0x16: {  	_ =	swait.ge [sflag:s13], $0x4000  }
0x17: {  	[sflag:s13] =	ssyncset.done $0x0  }
0x18: {  	s14 =	ssub.s32 $0x2, s14;
	[sflag:s13] =	ssyncadd.s32 $0xFFFFC000  }
0x19: {  	s17 =	sshrl.u32 s14, $0x1;
	_ =	swait.ge [sflag:s13], $0x4000  }
0x1a: {  	s30 =	ssub.s32 s14, s17;
	[sflag:s13] =	ssyncset.done $0x0  }
0x1b: {  	s31 =	smax.u32 s30, $0x1;
	[sflag:s13] =	ssyncadd.s32 $0xFFFFC000  }
0x1c: {  	s16 =	sshll.u32 s16, $0x4;
	p0 =	sne.s32 s31, $0x1;
	_ =	swait.ge [sflag:s13], $0x4000  }
.Ltmp0:
0x1d: {  	s15 =	sadd.s32 s16, s15;
	[sflag:s13] =	ssyncset.done $0x0;
	(pc) =	sbr.rel @!p0 .LBB2_2-.Ltmp0, $4  }
0x1e: {  	s14 =	sadd.s32 $0x1600, s15;
	[sflag:s13] =	ssyncadd.s32 $0xFFFFC000  }
0x1f: {  	[hbm4b:s14+s2] =	stream.linear.scatter [tilespmem:s7], [sflag:$0x2], $0x10000, $0x38;
	[tilespmem:$0x10200] =	vst v63  }
0x20: {  	_ =	swait.ge [sflag:s3], $0x10000  }
0x21: {  	s15 =	sadd.s32 $0xFFFFFFFF, s31;
	[sflag:s3] =	ssyncset.done $0x0  }
.LBB2_1:
0x22: {  	p0 =	sne.s32 s15, $0x1;
	s15 =	sadd.s32 $0xFFFFFFFF, s15;
	[sflag:s3] =	ssyncadd.s32 $0xFFFF0000  }
0x23: {  	[tilespmem:s2], [sflag:$0x2] =	stream.linear.gather [hbm4b:s4+s2], $0x200, $0x38;
	[tilespmem:$0x10200] =	vst v63  }
0x24: {  	_ =	swait.ge [sflag:s3], $0x200  }
0x25: {  	[sflag:s3] =	ssyncset.done $0x0  }
0x26: {  	[sflag:s3] =	ssyncadd.s32 $0xFFFFFE00  }
0x27: {  	[tilespmem:s7], [sflag:$0x1] =	stream.indirect.gather [hbm4b:s5+s6], $0x80, s2, s6, $0xb8;
	[tilespmem:$0x10200] =	vst v63  }
0x28: {  	_ = 	snop  }
0x29: {  	[tilespmem:s8], [sflag:$0x1] =	stream.indirect.gather [hbm4b:s5+s6], $0x80, s6, s6, $0xb8;
	[tilespmem:$0x10200] =	vst v63  }
0x2a: {  	_ = 	snop  }
0x2b: {  	[tilespmem:s10], [sflag:$0x1] =	stream.indirect.gather [hbm4b:s5+s6], $0x80, s9, s6, $0xb8;
	[tilespmem:$0x10200] =	vst v63  }
0x2c: {  	_ = 	snop  }
0x2d: {  	[tilespmem:s12], [sflag:$0x1] =	stream.indirect.gather [hbm4b:s5+s6], $0x80, s11, s6, $0xb8;
	[tilespmem:$0x10200] =	vst v63  }
0x2e: {  	_ =	swait.ge [sflag:s13], $0x4000  }
0x2f: {  	[sflag:s13] =	ssyncset.done $0x0  }
0x30: {  	[sflag:s13] =	ssyncadd.s32 $0xFFFFC000  }
0x31: {  	_ =	swait.ge [sflag:s13], $0x4000  }
0x32: {  	[sflag:s13] =	ssyncset.done $0x0  }
0x33: {  	[sflag:s13] =	ssyncadd.s32 $0xFFFFC000  }
0x34: {  	_ =	swait.ge [sflag:s13], $0x4000  }
0x35: {  	[sflag:s13] =	ssyncset.done $0x0  }
0x36: {  	[sflag:s13] =	ssyncadd.s32 $0xFFFFC000  }
0x37: {  	_ =	swait.ge [sflag:s13], $0x4000  }
.Ltmp1:
0x38: {  	[sflag:s13] =	ssyncset.done $0x0;
	(pc) =	sbr.rel @p0 .LBB2_1-.Ltmp1, $4  }
0x39: {  	[sflag:s13] =	ssyncadd.s32 $0xFFFFC000  }
0x3a: {  	[hbm4b:s14+s2] =	stream.linear.scatter [tilespmem:s7], [sflag:$0x2], $0x10000, $0x38;
	[tilespmem:$0x10200] =	vst v63  }
0x3b: {  	_ =	swait.ge [sflag:s3], $0x10000  }
0x3c: {  	[sflag:s3] =	ssyncset.done $0x0  }
.LBB2_2:
0x3d: {  	[sflag:s3] =	ssyncadd.s32 $0xFFFF0000  }
0x3e: {  	_ =	sfence.sel $0x180000  }
0x3f: {  	[bflag:$0x0] =	sbarrier.arrive $0xFFFF  }
0x40: {  	p0 =	sne.s32 s0, $0x0;
	_ =	strace $0x9000004D  }
0x41: {  	s0 =	sadd.s32 @!p0 $0x100000, s1;
	[bflag:$0x2] =	sbarrier.arrive $0xFFFF  }
0x42: {  	[sflag:s0] =	ssyncadd.tile.s32 @!p0 $0x1;
	_ =	shalt  }
.Lfunc_end2:
_tile_overlayer_lowered:
.L_overlay_start_2:
0x43: {  	(tag) =	ssettag $0x2  }
0x44: {  	s0 =	rddreg [dreg:$0x0];
	s2 =	stileid.u32  }
0x45: {  	s1 =	rddreg [dreg:$0x1];
	p0 =	sne.s32 s2, $0x0  }
0x46: {  	s3 =	rddreg [dreg:$0x2];
	[bflag:$0x3] =	sbarrier.arrive $0xFFFF;
	s2 =	simm.s32 @!p0 $0x1C02  }
0x47: {  	[timem:s3], [sflag:s2] =	dma.local @!p0 [hbm:s0], s1  }
0x48: {  	s0 =	simm.s32 @!p0 $0x2  }
0x49: {  	_ =	swait.ge @!p0 [sflag:s0], s1  }
0x4a: {  	s1 =	ssub.s32 @!p0 $0x0, s1;
	[sflag:s0] =	ssyncset.done @!p0 $0x0  }
0x4b: {  	[sflag:s0] =	ssyncadd.s32 @!p0 s1  }
0x4c: {  	[bflag:$0x3] =	sbarrier.arrive $0xFFFF  }
0x4d: {  	_ =	shalt  }

// kernel: kernel.20.cloned.1.call-start
scs
__scs_entry_jumppad:
0x0: {  	(pc) =	sbr.rel $0x88, $3  }
0x1: {  	(tag) =	ssettag $0x0;
	lr =	simm.s32 $0x1  }
0x2: {  	[smem:$0x3F9F] =	sst lr;
	_ =	strace $0xD0000000  }
0x3: {  	_ = 	snop  }
0x4: {  	_ = 	snop  }
0x5: {  	_ = 	snop  }
0x6: {  	_ = 	snop  }
0x7: {  	_ = 	snop  }
__scs_overlays_trampoline_lowered:
0x8: {  	[smem:$0x3FAE] =	sst s0  }
0x9: {  	[smem:$0x3FAF] =	sst s1  }
0xa: {  	[smem:$0x3FB0] =	sst s2  }
0xb: {  	[smem:$0x3FB1] =	sst s3  }
0xc: {  	[smem:$0x3FB2] =	sst s4  }
0xd: {  	[smem:$0x3FB3] =	sst s5  }
0xe: {  	[smem:$0x3FB4] =	sst s6  }
0xf: {  	[smem:$0x3FB5] =	sst s7  }
0x10: {  	[smem:$0x3FB6] =	sst s8  }
0x11: {  	[smem:$0x3FB7] =	sst s9;
	s0 =	simm.s32 @!p0 $0x0  }
0x12: {  	s1 =	sld [smem:$0x3F9D];
	s0 =	simm.s32 @p0 $0x1  }
0x13: {  	[smem:$0x3FB8] =	sst s0;
	s0 =	simm.s32 @!p1 $0x0  }
0x14: {  	s2 =	sld [smem:$0x3F9C];
	s0 =	simm.s32 @p1 $0x1  }
0x15: {  	[smem:$0x3FB9] =	sst s0;
	s0 =	simm.s32 @!p2 $0x0  }
0x16: {  	s3 =	sld [smem:$0x3FDB];
	s0 =	simm.s32 @p2 $0x1  }
0x17: {  	s4 =	simm.s32 $0x1BF5;
	[smem:$0x3FBB] =	sst s0  }
0x18: {  	s0 =	sld [smem:$0x3F9E];
	_ =	swait.ge [sflag:s4], $0x0  }
0x19: {  	s7 =	sld [smem:$0x3F9F]  }
0x1a: {  	s8 =	sadd.s32 $0xFFFFE003, lr  }
0x1b: {  	s9 =	sadd.s32 $0xFFFFFEF7, lr;
	s5 =	simm.s32 $0xFFFFFFFF;
	p2 =	slt.u32 s8, $0xFFFFF086  }
0x1c: {  	p1 =	slt.u32 s9, $0xF7A;
	s5 =	simm.s32 @!p2 $0x0  }
0x1d: {  	s5 =	simm.s32 @p1 $0x1;
	p0 =	seq.s32 s7, s2  }
0x1e: {  	s7 =	smul.u32 @!p0 $0xF7A, s2;
	p2 =	seq.s32 @!p0 s5, $0x0  }
0x1f: {  	s9 =	smul.u32 $0xF7A, s1;
	s8 =	simm.s32 @!p0 $0x1BF5;
	p2 =	por !p2, p0  }
0x20: {  	[sflag:s8] =	ssyncset.s32 @!p0 $0xFFFFF086;
	s6 =	sadd.s32 @!p0 s3, s7;
	s7 =	simm.s32 @!p0 $0x108  }
0x21: {  	s3 =	sadd.s32 s3, s9;
	s6 =	sadd.s32 @!p0 $0x88, s6;
	s7 =	simm.s32 @p2 $0x1082  }
0x22: {  	[simem:s7], [sflag:s8] =	dma.local @!p0 [hbm:s6], $0xF7A  }
0x23: {  	s9 =	sor.u32 $0xD0000000, s2;
	s6 =	simm.s32 $0x108;
	_ =	swait.ge @!p0 [sflag:s8], $0x0  }
0x24: {  	s3 =	sadd.s32 $0x88, s3;
	s6 =	simm.s32 @!p1 $0x1082;
	[sflag:s4] =	ssyncset.s32 $0xFFFFF086  }
0x25: {  	[simem:s6], [sflag:s4] =	dma.local [hbm:s3], $0xF7A  }
0x26: {  	[smem:$0x3F9F] =	sst s1;
	(tag) =	ssettag s2;
	_ =	strace s9  }
0x27: {  	s1 =	sld [smem:$0x3FAF]  }
0x28: {  	s2 =	sld [smem:$0x3FB0]  }
0x29: {  	s4 =	sld [smem:$0x3FB2]  }
0x2a: {  	p0 =	seq.s32 s5, $0x0;
	s5 =	sld [smem:$0x3FB3]  }
0x2b: {  	s6 =	sld [smem:$0x3FB4]  }
0x2c: {  	s7 =	sld [smem:$0x3FB5]  }
0x2d: {  	s3 =	simm.s32 $0x108;
	s8 =	sld [smem:$0x3FB6]  }
0x2e: {  	s3 =	simm.s32 @!p0 $0x1082;
	s9 =	sld [smem:$0x3FB7]  }
0x2f: {  	lr =	sadd.s32 s0, s3;
	s0 =	sld [smem:$0x3FAE]  }
0x30: {  	s3 =	sld [smem:$0x3FB1]  }
0x31: {  	[smem:$0x3FBA] =	sst s10  }
0x32: {  	s10 =	sld [smem:$0x3FB8];
	_ =	sdelay $0x3  }
0x33: {  	p0 =	seq.s32 s10, $0x1;
	s10 =	sld [smem:$0x3FBA];
	_ =	sdelay $0x3  }
0x34: {  	[smem:$0x3FBA] =	sst s10  }
0x35: {  	s10 =	sld [smem:$0x3FB9];
	_ =	sdelay $0x3  }
0x36: {  	p1 =	seq.s32 s10, $0x1;
	s10 =	sld [smem:$0x3FBA];
	_ =	sdelay $0x3  }
0x37: {  	[smem:$0x3FBA] =	sst s10  }
0x38: {  	s10 =	sld [smem:$0x3FBB]  }
0x39: {  	_ = 	snop;
	(pc) =	sbr.ind lr, $3  }
0x3a: {  	_ = 	snop  }
0x3b: {  	_ = 	snop  }
0x3c: {  	p2 =	seq.s32 s10, $0x1;
	s10 =	sld [smem:$0x3FBA]  }
0x3d: {  	_ =	shalt  }
0x3e: {  	_ =	shalt  }
0x3f: {  	_ =	shalt  }
0x40: {  	_ =	shalt  }
0x41: {  	_ =	shalt  }
0x42: {  	_ =	shalt  }
0x43: {  	_ =	shalt  }
0x44: {  	_ =	shalt  }
0x45: {  	_ =	shalt  }
0x46: {  	_ =	shalt  }
0x47: {  	_ =	shalt  }
0x48: {  	_ =	shalt  }
0x49: {  	_ =	shalt  }
0x4a: {  	_ =	shalt  }
0x4b: {  	_ =	shalt  }
0x4c: {  	_ =	shalt  }
0x4d: {  	_ =	shalt  }
0x4e: {  	_ =	shalt  }
0x4f: {  	_ =	shalt  }
0x50: {  	_ =	shalt  }
0x51: {  	_ =	shalt  }
0x52: {  	_ =	shalt  }
0x53: {  	_ =	shalt  }
0x54: {  	_ =	shalt  }
0x55: {  	_ =	shalt  }
0x56: {  	_ =	shalt  }
0x57: {  	_ =	shalt  }
0x58: {  	_ =	shalt  }
0x59: {  	_ =	shalt  }
0x5a: {  	_ =	shalt  }
0x5b: {  	_ =	shalt  }
0x5c: {  	_ =	shalt  }
0x5d: {  	_ =	shalt  }
0x5e: {  	_ =	shalt  }
0x5f: {  	_ =	shalt  }
0x60: {  	_ =	shalt  }
0x61: {  	_ =	shalt  }
0x62: {  	_ =	shalt  }
0x63: {  	_ =	shalt  }
0x64: {  	_ =	shalt  }
0x65: {  	_ =	shalt  }
0x66: {  	_ =	shalt  }
0x67: {  	_ =	shalt  }
0x68: {  	_ =	shalt  }
0x69: {  	_ =	shalt  }
0x6a: {  	_ =	shalt  }
0x6b: {  	_ =	shalt  }
0x6c: {  	_ =	shalt  }
0x6d: {  	_ =	shalt  }
0x6e: {  	_ =	shalt  }
0x6f: {  	_ =	shalt  }
0x70: {  	_ =	shalt  }
0x71: {  	_ =	shalt  }
0x72: {  	_ =	shalt  }
0x73: {  	_ =	shalt  }
0x74: {  	_ =	shalt  }
0x75: {  	_ =	shalt  }
0x76: {  	_ =	shalt  }
0x77: {  	_ =	shalt  }
0x78: {  	_ =	shalt  }
0x79: {  	_ =	shalt  }
0x7a: {  	_ =	shalt  }
0x7b: {  	_ =	shalt  }
0x7c: {  	_ =	shalt  }
0x7d: {  	_ =	shalt  }
0x7e: {  	_ =	shalt  }
0x7f: {  	_ =	shalt  }
0x80: {  	_ =	shalt  }
0x81: {  	_ =	shalt  }
0x82: {  	_ =	shalt  }
0x83: {  	_ =	shalt  }
0x84: {  	_ =	shalt  }
0x85: {  	_ =	shalt  }
0x86: {  	_ =	shalt  }
0x87: {  	_ =	shalt  }
.Lfunc_end0:
.L_simem_size_0:
called_computation.3_lowered:
.L_overlay_start_0:
0x88: {  	s2 =	sld [smem:$0x3FD9]  }
0x89: {  	s3 =	sld [smem:$0x3FFE];
	_ =	sdelay $0x1  }
0x8a: {  	s1 =	srdreg.scid  }
0x8b: {  	s0 =	sand.u32 $0x1, s1  }
0x8c: {  	s16 =	sshll.u32 s0, $0xA;
	s2 =	sadd.s32 s3, s2  }
0x8d: {  	s2 =	sadd.s32 s2, s16  }
0x8e: {  	[smem:$0x3FC6] =	sst s2  }
0x8f: {  	_ = 	snop  }
0x90: {  	(tm) =	ssettm $0x1  }
0x91: {  	s17 =	sld [smem:$0x3FFB];
	_ =	sdelay $0x3  }
0x92: {  	_ =	strace s17  }
0x93: {  	s2 =	sld [smem:$0x3FFC];
	_ =	sdelay $0x3  }
0x94: {  	_ =	strace s2  }
0x95: {  	s2 =	sld [smem:$0x3FFD];
	_ =	sdelay $0x3  }
0x96: {  	_ =	strace s2  }
0x97: {  	_ =	strace $0x8FFFFFFF  }
0x98: {  	s18 =	sld [smem:$0x3FDB];
	_ =	sdelay $0x1  }
0x99: {  	s19 =	simm.s32 $_scs_section_size  }
0x9a: {  	s4 =	simm.s32 $_size__tile_overlayer_lowered;
	s5 =	simm.s32 $_tile_overlayer_lowered  }
0x9b: {  	s22 =	simm.s32 $0x1BFF;
	s21 =	sshll.u32 s5, $0x1;
	s2 =	sadd.s32 s19, s18  }
0x9c: {  	s6 =	simm.s32 $0x0;
	s20 =	sshll.u32 s4, $0x1;
	s4 =	sadd.s32 s21, s2  }
0x9d: {  	[timem:s6], [sflag:s22] =	dma.local [hbm:s4], s20  }
0x9e: {  	_ =	swait.ge [sflag:s22], s20  }
0x9f: {  	s3 =	ssub.s32 $0x0, s20;
	[sflag:s22] =	ssyncset.done $0x0  }
0xa0: {  	[sflag:s22] =	ssyncadd.s32 s3;
	_ =	sdelay $0x1  }
0xa1: {  	s23 =	simm.s32 $0x1B8B  }
0xa2: {  	_ =	swait.ge [sflag:s23], $0x1  }
0xa3: {  	[sflag:s23] =	ssyncset.done $0x0  }
0xa4: {  	s25 =	simm.s32 $0x1B8E;
	s24 =	sld [smem:$0x3FFE];
	[sflag:s23] =	ssyncadd.s32 $0xFFFFFFFF  }
0xa5: {  	s26 =	simm.s32 $execute0_lowered;
	[smem:$0x3FD2] =	sst s25  }
0xa6: {  	s4 =	sshll.u32 s26, $0x1;
	_ =	strace $0x8000004F;
	[dreg:$0x1] =	wrdreg $0xFFFFFFFF  }
0xa7: {  	s28 =	simm.s32 $_size_execute0_lowered;
	s2 =	sadd.s32 s2, s4;
	[dreg:$0x0] =	wrdreg $0x0  }
0xa8: {  	s4 =	sshll.u32 s28, $0x1;
	[dreg:$0x2] =	wrdreg s2  }
0xa9: {  	[dreg:$0x3] =	wrdreg s4  }
0xaa: {  	[dreg:$0x4] =	wrdreg $0xC0  }
0xab: {  	_ =	task [dreg:s6], $0x5FFFF  }
0xac: {  	[dreg:$0x1] =	wrdreg $0xFFFFFFFF  }
0xad: {  	[dreg:$0x0] =	wrdreg $0x60  }
0xae: {  	[dreg:$0x2] =	wrdreg s24  }
0xaf: {  	[dreg:$0x3] =	wrdreg $0x9  }
0xb0: {  	_ =	task.clear_ibuf [dreg:s6], $0x4FFFF;
	_ =	strace $0x9000004F  }
0xb1: {  	s29 =	simm.s32 $0x9;
	_ =	strace $0x80000051  }
0xb2: {  	_ =	swait.ge [sflag:s29], $0x1  }
0xb3: {  	[sflag:s29] =	ssyncadd.s32 $0xFFFFFFFF  }
0xb4: {  	_ =	strace $0x90000051  }
0xb5: {  	_ =	sfence  }
0xb6: {  	s30 =	sld [smem:$0x0];
	_ =	sdelay $0x2  }
0xb7: {  	s31 =	sshll.u32 s1, $0xD;
	s1 =	sshrl.u32 s1, $0x2  }
0xb8: {  	s3 =	sand.u32 $0x4000, s31;
	s1 =	sadd.s32 s1, s30  }
0xb9: {  	s0 =	sor.u32 s3, s0;
	s1 =	sshll.u32 s1, $0x11  }
0xba: {  	s0 =	sor.u32 s1, s0  }
0xbb: {  	s0 =	sadd.s32 $0x8F2B, s0  }
0xbc: {  	[sflag:s0] =	ssyncadd.remote.s32 $0x1  }
0xbd: {  	_ =	sfence.sel $0xFFFF  }
0xbe: {  	[dreg:$0x0] =	wrdreg $0xFFFFFFFF;
	(pc) =	sbr.abs _section_cstart, $3  }
0xbf: {  	[dreg:$0x1] =	wrdreg $0xFFFFFFFF  }
0xc0: {  	_ =	task.clear_ibuf [dreg:s6], $0x2FFFF;
	_ =	strace $0x9FFFFFFF  }
0xc1: {  	(tm) =	ssettm $0x7FFFFFFF  }
tec
execute0_lowered:
.L_overlay_start_1:
0x0: {  	(tag) =	ssettag $0x1  }
0x1: {  	s1 =	srdreg.scid  }
0x2: {  	s0 =	stileid.u32;
	s14 =	sand.u32 $0x1, s1  }
0x3: {  	s29 =	sshll.u32 s0, $0xA;
	s2 =	sshll.u32 s14, $0x9  }
0x4: {  	s15 =	rddreg [dreg:$0x0];
	s16 =	sor.u32 s2, s29  }
0x5: {  	s1 =	rddreg [dreg:$0x1];
	s2 =	simm.s32 $0x0;
	s3 =	sshrl.u32 s16, $0x3  }
0x6: {  	[smem:$0x7FF] =	sst s2;
	s3 =	sadd.s32 s3, s15  }
0x7: {  	_ =	strace $0x80000050;
	s4 =	sadd.s32 $0x1600, s3;
	s3 =	simm.s32 $0x2  }
0x8: {  	[tilespmem:s2], [sflag:$0x2] =	stream.linear.gather [hbm4b:s4+s2], $0x200, $0x38;
	[tilespmem:$0x10200] =	vst v63  }
0x9: {  	_ =	swait.ge [sflag:s3], $0x200  }
0xa: {  	s6 =	simm.s32 $0x80;
	[sflag:s3] =	ssyncset.done $0x0  }
0xb: {  	s7 =	simm.s32 $0x200;
	s5 =	sadd.s32 $0xE0C00, s15;
	[sflag:s3] =	ssyncadd.s32 $0xFFFFFE00  }
0xc: {  	[tilespmem:s7], [sflag:$0x1] =	stream.indirect.gather [hbm4b:s5+s6], $0x80, s2, s6, $0xb8;
	[tilespmem:$0x10200] =	vst v63  }
0xd: {  	s8 =	simm.s32 $0x4200  }
0xe: {  	[tilespmem:s8], [sflag:$0x1] =	stream.indirect.gather [hbm4b:s5+s6], $0x80, s6, s6, $0xb8;
	[tilespmem:$0x10200] =	vst v63  }
0xf: {  	s9 =	simm.s32 $0x100;
	s10 =	simm.s32 $0x8200  }
0x10: {  	[tilespmem:s10], [sflag:$0x1] =	stream.indirect.gather [hbm4b:s5+s6], $0x80, s9, s6, $0xb8;
	[tilespmem:$0x10200] =	vst v63  }
0x11: {  	s11 =	simm.s32 $0x180;
	s12 =	simm.s32 $0xC200;
	s13 =	simm.s32 $0x1  }
0x12: {  	[tilespmem:s12], [sflag:$0x1] =	stream.indirect.gather [hbm4b:s5+s6], $0x80, s11, s6, $0xb8;
	[tilespmem:$0x10200] =	vst v63  }
0x13: {  	_ =	swait.ge [sflag:s13], $0x4000  }
0x14: {  	[sflag:s13] =	ssyncset.done $0x0  }
0x15: {  	[sflag:s13] =	ssyncadd.s32 $0xFFFFC000  }
0x16: {  	_ =	swait.ge [sflag:s13], $0x4000  }
0x17: {  	[sflag:s13] =	ssyncset.done $0x0  }
0x18: {  	s14 =	ssub.s32 $0x2, s14;
	[sflag:s13] =	ssyncadd.s32 $0xFFFFC000  }
0x19: {  	s17 =	sshrl.u32 s14, $0x1;
	_ =	swait.ge [sflag:s13], $0x4000  }
0x1a: {  	s30 =	ssub.s32 s14, s17;
	[sflag:s13] =	ssyncset.done $0x0  }
0x1b: {  	s31 =	smax.u32 s30, $0x1;
	[sflag:s13] =	ssyncadd.s32 $0xFFFFC000  }
0x1c: {  	s16 =	sshll.u32 s16, $0x4;
	p0 =	sne.s32 s31, $0x1;
	_ =	swait.ge [sflag:s13], $0x4000  }
.Ltmp0:
0x1d: {  	s15 =	sadd.s32 s16, s15;
	[sflag:s13] =	ssyncset.done $0x0;
	(pc) =	sbr.rel @!p0 .LBB2_2-.Ltmp0, $4  }
0x1e: {  	s14 =	sadd.s32 $0x81600, s15;
	[sflag:s13] =	ssyncadd.s32 $0xFFFFC000  }
0x1f: {  	[hbm4b:s14+s2] =	stream.linear.scatter [tilespmem:s7], [sflag:$0x2], $0x10000, $0x38;
	[tilespmem:$0x10200] =	vst v63  }
0x20: {  	_ =	swait.ge [sflag:s3], $0x10000  }
0x21: {  	s15 =	sadd.s32 $0xFFFFFFFF, s31;
	[sflag:s3] =	ssyncset.done $0x0  }
.LBB2_1:
0x22: {  	p0 =	sne.s32 s15, $0x1;
	s15 =	sadd.s32 $0xFFFFFFFF, s15;
	[sflag:s3] =	ssyncadd.s32 $0xFFFF0000  }
0x23: {  	[tilespmem:s2], [sflag:$0x2] =	stream.linear.gather [hbm4b:s4+s2], $0x200, $0x38;
	[tilespmem:$0x10200] =	vst v63  }
0x24: {  	_ =	swait.ge [sflag:s3], $0x200  }
0x25: {  	[sflag:s3] =	ssyncset.done $0x0  }
0x26: {  	[sflag:s3] =	ssyncadd.s32 $0xFFFFFE00  }
0x27: {  	[tilespmem:s7], [sflag:$0x1] =	stream.indirect.gather [hbm4b:s5+s6], $0x80, s2, s6, $0xb8;
	[tilespmem:$0x10200] =	vst v63  }
0x28: {  	_ = 	snop  }
0x29: {  	[tilespmem:s8], [sflag:$0x1] =	stream.indirect.gather [hbm4b:s5+s6], $0x80, s6, s6, $0xb8;
	[tilespmem:$0x10200] =	vst v63  }
0x2a: {  	_ = 	snop  }
0x2b: {  	[tilespmem:s10], [sflag:$0x1] =	stream.indirect.gather [hbm4b:s5+s6], $0x80, s9, s6, $0xb8;
	[tilespmem:$0x10200] =	vst v63  }
0x2c: {  	_ = 	snop  }
0x2d: {  	[tilespmem:s12], [sflag:$0x1] =	stream.indirect.gather [hbm4b:s5+s6], $0x80, s11, s6, $0xb8;
	[tilespmem:$0x10200] =	vst v63  }
0x2e: {  	_ =	swait.ge [sflag:s13], $0x4000  }
0x2f: {  	[sflag:s13] =	ssyncset.done $0x0  }
0x30: {  	[sflag:s13] =	ssyncadd.s32 $0xFFFFC000  }
0x31: {  	_ =	swait.ge [sflag:s13], $0x4000  }
0x32: {  	[sflag:s13] =	ssyncset.done $0x0  }
0x33: {  	[sflag:s13] =	ssyncadd.s32 $0xFFFFC000  }
0x34: {  	_ =	swait.ge [sflag:s13], $0x4000  }
0x35: {  	[sflag:s13] =	ssyncset.done $0x0  }
0x36: {  	[sflag:s13] =	ssyncadd.s32 $0xFFFFC000  }
0x37: {  	_ =	swait.ge [sflag:s13], $0x4000  }
.Ltmp1:
0x38: {  	[sflag:s13] =	ssyncset.done $0x0;
	(pc) =	sbr.rel @p0 .LBB2_1-.Ltmp1, $4  }
0x39: {  	[sflag:s13] =	ssyncadd.s32 $0xFFFFC000  }
0x3a: {  	[hbm4b:s14+s2] =	stream.linear.scatter [tilespmem:s7], [sflag:$0x2], $0x10000, $0x38;
	[tilespmem:$0x10200] =	vst v63  }
0x3b: {  	_ =	swait.ge [sflag:s3], $0x10000  }
0x3c: {  	[sflag:s3] =	ssyncset.done $0x0  }
.LBB2_2:
0x3d: {  	[sflag:s3] =	ssyncadd.s32 $0xFFFF0000  }
0x3e: {  	_ =	sfence.sel $0x180000  }
0x3f: {  	[bflag:$0x0] =	sbarrier.arrive $0xFFFF  }
0x40: {  	p0 =	sne.s32 s0, $0x0;
	_ =	strace $0x90000050  }
0x41: {  	s0 =	sadd.s32 @!p0 $0x100000, s1;
	[bflag:$0x2] =	sbarrier.arrive $0xFFFF  }
0x42: {  	[sflag:s0] =	ssyncadd.tile.s32 @!p0 $0x1;
	_ =	shalt  }
.Lfunc_end2:
_tile_overlayer_lowered:
.L_overlay_start_2:
0x43: {  	(tag) =	ssettag $0x2  }
0x44: {  	s0 =	rddreg [dreg:$0x0];
	s2 =	stileid.u32  }
0x45: {  	s1 =	rddreg [dreg:$0x1];
	p0 =	sne.s32 s2, $0x0  }
0x46: {  	s3 =	rddreg [dreg:$0x2];
	[bflag:$0x3] =	sbarrier.arrive $0xFFFF;
	s2 =	simm.s32 @!p0 $0x1C02  }
0x47: {  	[timem:s3], [sflag:s2] =	dma.local @!p0 [hbm:s0], s1  }
0x48: {  	s0 =	simm.s32 @!p0 $0x2  }
0x49: {  	_ =	swait.ge @!p0 [sflag:s0], s1  }
0x4a: {  	s1 =	ssub.s32 @!p0 $0x0, s1;
	[sflag:s0] =	ssyncset.done @!p0 $0x0  }
0x4b: {  	[sflag:s0] =	ssyncadd.s32 @!p0 s1  }
0x4c: {  	[bflag:$0x3] =	sbarrier.arrive $0xFFFF  }
0x4d: {  	_ =	shalt  }

</sc_bundles>
